<compile_context>
chip_gen: v7x
topology: tpu7x:2x2x1
jax: 0.10.2.dev20260603
libtpu: 0.0.44.dev20260713+nightly
codegen_flags: <defaults>
</compile_context>

<pallas_src>
import dataclasses
import functools

import jax
import jax.numpy as jnp
from jax import lax
from jax.experimental import pallas as pl
from jax.experimental.pallas import tpu as pltpu
from jax.experimental.pallas import tpu_sc as plsc

B = 16384
K = 128
N = 1024
UI = 1.0
IJ = 1.0

NC, NS, L = 2, 16, 16
NW = NC * NS
BPW = B // NW
CHUNK = 128
NCHUNK = BPW // CHUNK
TCHUNK = B // CHUNK


def _tables_body(gUI, gIU, gIJ, gJI, gIT, gTI, bU, bI, bT, alpha,
                 sU, sI, sJ, sT, sR,
                 p1, p2, p3, aux, s1, s2, s3, sx, sem):
    dn = (((1,), (1,)), ((), ()))
    a = alpha[0]
    H = N // 8
    NN2 = H * N
    copies = []
    specs = [
        (gUI, gIU, bU, a, UI, s1, p1),
        (gIJ, gJI, bI, 0.0, IJ, s2, p2),
        (gTI, gIT, bT, 0.0, 1.0, s3, p3),
    ]
    for lhs, rhs, bias, extra, scale, sref, pref in specs:
        for h in range(8):
            rows = pl.ds(h * H, H)
            res = (scale * lax.dot_general(
                       lhs[rows, :], rhs[...], dn,
                       preferred_element_type=jnp.float32)
                   + jnp.reshape(bias[rows], (H, 1)) + extra)
            half = pl.ds(h * NN2, NN2)
            sref[half] = jnp.reshape(res, (NN2,))
            cc = pltpu.make_async_copy(sref.at[half], pref.at[half], sem)
            cc.start()
            copies.append(cc)
    u = sU[...]
    i = sI[...]
    j = sJ[...]
    t = sT[...]
    sx[0] = jnp.reshape(u * N + i, (TCHUNK, CHUNK))
    sx[1] = jnp.reshape(i * N + j, (TCHUNK, CHUNK))
    sx[2] = jnp.reshape(t * N + i, (TCHUNK, CHUNK))
    sx[3] = jnp.reshape(lax.bitcast_convert_type(sR[...], jnp.int32),
                        (TCHUNK, CHUNK))
    c4 = pltpu.make_async_copy(sx, aux, sem)
    c4.start()
    copies.append(c4)
    for cc in copies:
        cc.wait()


_tables = pl.pallas_call(
    _tables_body,
    in_specs=[pl.BlockSpec(memory_space=pltpu.VMEM)] * 9
    + [pl.BlockSpec(memory_space=pltpu.SMEM)]
    + [pl.BlockSpec(memory_space=pltpu.VMEM)] * 5,
    out_specs=[pl.BlockSpec(memory_space=pltpu.MemorySpace.HBM)] * 4,
    out_shape=[jax.ShapeDtypeStruct((N * N,), jnp.float32)] * 3
    + [jax.ShapeDtypeStruct((4, TCHUNK, CHUNK), jnp.int32)],
    scratch_shapes=[pltpu.VMEM((N * N,), jnp.float32)] * 3
    + [pltpu.VMEM((4, TCHUNK, CHUNK), jnp.int32), pltpu.SemaphoreType.DMA],
)


_sc_mesh = plsc.VectorSubcoreMesh(core_axis_name="c", subcore_axis_name="s")

_sc_params = pltpu.CompilerParams()
if "needs_layout_passes" in pltpu.CompilerParams.__dataclass_fields__:
    _sc_params = dataclasses.replace(_sc_params, needs_layout_passes=False)


@functools.partial(
    pl.kernel,
    out_type=jax.ShapeDtypeStruct((NW, L), jnp.float32),
    mesh=_sc_mesh,
    scratch_types=[
        pltpu.VMEM((4, NCHUNK, CHUNK), jnp.int32),
        pltpu.VMEM((NCHUNK, CHUNK), jnp.float32),
        pltpu.VMEM((NCHUNK, CHUNK), jnp.float32),
        pltpu.VMEM((NCHUNK, CHUNK), jnp.float32),
        pltpu.VMEM((L,), jnp.float32),
        pltpu.SemaphoreType.DMA,
    ],
    compiler_params=_sc_params,
)
def _sc_loss(p1_hbm, p2_hbm, p3_hbm, aux_hbm,
             out_hbm, a_v, g1, g2, g3, acc, sem):
    wid = lax.axis_index("s") * NC + lax.axis_index("c")
    cbase = wid * NCHUNK
    pltpu.async_copy(
        aux_hbm.at[:, pl.ds(cbase, NCHUNK), :], a_v, sem).wait()

    copies = []
    for c in range(NCHUNK):
        copies.append(pltpu.async_copy(p1_hbm.at[a_v.at[0, c]],
                                       g1.at[c], sem))
        copies.append(pltpu.async_copy(p2_hbm.at[a_v.at[1, c]],
                                       g2.at[c], sem))
        copies.append(pltpu.async_copy(p3_hbm.at[a_v.at[2, c]],
                                       g3.at[c], sem))
    for cp in copies:
        cp.wait()

    total = jnp.zeros((L,), jnp.float32)
    for c in range(NCHUNK):
        for o in range(CHUNK // L):
            sl = pl.ds(o * L, L)
            pred = g1[c, sl] + g2[c, sl] + g3[c, sl]
            d = pred - plsc.bitcast(a_v[3, c, sl], jnp.float32)
            total = total + d * d
    acc[...] = total
    pltpu.sync_copy(acc, out_hbm.at[wid])


def kernel(sampleT, sampleU, sampleI, sampleJ, sampleR, alpha, betaU, betaI,
           betaT, gammaUI, gammaIU, gammaIJ, gammaJI, gammaIT, gammaTI):
    p1, p2, p3, aux = _tables(
        gammaUI, gammaIU, gammaIJ, gammaJI, gammaIT, gammaTI,
        betaU, betaI, betaT, alpha.reshape(1),
        sampleU, sampleI, sampleJ, sampleT, sampleR,
    )
    partials = _sc_loss(p1, p2, p3, aux)
    return 0.5 * jnp.sum(partials) / B

# --- scband reference (transcript-rebuilt; emitter-appended) ---
"""Pipeline reference for scband-fpmcwt-53626961657995 (READ-ONLY COPY).

The authoritative reference and input builder live on the scoring server;
editing this copy changes nothing except your own understanding.
"""

import jax, jax.numpy as jnp
import numpy as np

B = 16384
K = 128
N_USERS = 1024
N_ITEMS = 1024
N_TIMES = 1024
UI = 1.0
IJ = 1.0


def setup_inputs(seed: int = 0) -> dict:
    key = jax.random.key(seed)
    ks = jax.random.split(key, 15)
    return {
        'sampleT': jax.random.randint(ks[0], (B,), 0, 1000, dtype=jnp.int32),
        'sampleU': jax.random.randint(ks[1], (B,), 0, 1000, dtype=jnp.int32),
        'sampleI': jax.random.randint(ks[2], (B,), 0, 1000, dtype=jnp.int32),
        'sampleJ': jax.random.randint(ks[3], (B,), 0, 1000, dtype=jnp.int32),
        'sampleR': jax.random.normal(ks[4], (B,), dtype=jnp.float32),
        'alpha': jnp.zeros((), dtype=jnp.float32),
        'betaU': 0.001 * jax.random.normal(ks[5], (N_USERS,), dtype=jnp.float32),
        'betaI': 0.001 * jax.random.normal(ks[6], (N_ITEMS,), dtype=jnp.float32),
        'betaT': 0.001 * jax.random.normal(ks[7], (N_TIMES,), dtype=jnp.float32),
        'gammaUI': 0.001 * jax.random.normal(ks[8], (N_USERS, K), dtype=jnp.float32),
        'gammaIU': 0.001 * jax.random.normal(ks[9], (N_ITEMS, K), dtype=jnp.float32),
        'gammaIJ': 0.001 * jax.random.normal(ks[10], (N_ITEMS, K), dtype=jnp.float32),
        'gammaJI': 0.001 * jax.random.normal(ks[11], (N_ITEMS, K), dtype=jnp.float32),
        'gammaIT': 0.001 * jax.random.normal(ks[12], (N_TIMES, K), dtype=jnp.float32),
        'gammaTI': 0.001 * jax.random.normal(ks[13], (N_TIMES, K), dtype=jnp.float32),
    }


def reference(sampleT, sampleU, sampleI, sampleJ, sampleR, alpha, betaU, betaI, betaT, gammaUI, gammaIU, gammaIJ, gammaJI, gammaIT, gammaTI):
    # predictSample
    gamma_ui = jnp.take(gammaUI, sampleU, axis=0)
    gamma_iu = jnp.take(gammaIU, sampleI, axis=0)
    gamma_ij = jnp.take(gammaIJ, sampleI, axis=0)
    gamma_ji = jnp.take(gammaJI, sampleJ, axis=0)
    gamma_ti = jnp.take(gammaTI, sampleT, axis=0)
    gamma_it = jnp.take(gammaIT, sampleI, axis=0)
    beta_i = jnp.take(betaI, sampleI)
    beta_u = jnp.take(betaU, sampleU)
    beta_t = jnp.take(betaT, sampleT)
    little_bias = (beta_i + beta_t + UI * beta_u
                   + UI * jnp.sum(gamma_ui * gamma_iu, axis=1)
                   + IJ * jnp.sum(gamma_ij * gamma_ji, axis=1)
                   + jnp.sum(gamma_ti * gamma_it, axis=1))
    pred = alpha + little_bias
    # call: tf.nn.l2_loss(pred - r) / len(sampleR)
    loss = 0.5 * jnp.sum(jnp.square(pred - sampleR)) / B
    return loss

if __name__ == "__main__":
    import jax
    _d = setup_inputs()
    print(jax.jit(kernel)(*tuple(_d.values())))

</pallas_src>

<mosaic_0001>
#map = affine_map<(d0, d1) -> (0)>
#map1 = affine_map<(d0, d1) -> (0, 0, 0)>
#map2 = affine_map<(d0, d1) -> (0, 0)>
module attributes {stable_mosaic.version = 14 : i64} {
  func.func @_sc_loss(%arg0: i32, %arg1: i32, %arg2: memref<1048576xf32, #tpu.memory_space<hbm>>, %arg3: memref<1048576xf32, #tpu.memory_space<hbm>>, %arg4: memref<1048576xf32, #tpu.memory_space<hbm>>, %arg5: memref<4x128x128xi32, #tpu.memory_space<hbm>>, %arg6: memref<32x16xf32, #tpu.memory_space<hbm>>, %arg7: memref<4x4x128xi32, #tpu.memory_space<vmem>>, %arg8: memref<4x128xf32, #tpu.memory_space<vmem>>, %arg9: memref<4x128xf32, #tpu.memory_space<vmem>>, %arg10: memref<4x128xf32, #tpu.memory_space<vmem>>, %arg11: memref<16xf32, #tpu.memory_space<vmem>>, %arg12: memref<!tpu.dma_semaphore, #tpu.memory_space<semaphore_mem>>) attributes {dimension_semantics = [#tpu.dimension_semantics<core_parallel>, #tpu.dimension_semantics<subcore_parallel>], iteration_bounds = array<i64: 2, 16>, scalar_prefetch = 0 : i64, scratch_operands = 6 : i64, tpu.core_type = #tpu.core_type<sc_vector_subcore>, window_params = [{transform_indices = #map}, {transform_indices = #map}, {transform_indices = #map}, {transform_indices = #map1}, {transform_indices = #map2}]} {
    %mul3A = arith.constant 2 : i32
    %mul3A_0 = arith.muli %arg1, %mul3A : i32
    %add3A = arith.addi %mul3A_0, %arg0 : i32
    %mul3A_1 = arith.constant 4 : i32
    %mul3A_2 = arith.muli %add3A, %mul3A_1 : i32
    %dma_start3A = arith.constant 0 : i32
    %dma_start3A_3 = arith.constant 0 : i32
    %dma_start3A_4 = tpu.memref_slice %arg5[%dma_start3A, %mul3A_2, %dma_start3A_3] : memref<4x128x128xi32, #tpu.memory_space<hbm>> -> memref<4x4x128xi32, #tpu.memory_space<hbm>>
    %dma_start3A_5 = arith.constant 0 : i32
    %dma_start3A_6 = arith.constant 0 : i32
    %dma_start3A_7 = tpu.memref_slice %arg5[%dma_start3A_5, %mul3A_2, %dma_start3A_6] : memref<4x128x128xi32, #tpu.memory_space<hbm>> -> memref<4x4x128xi32, #tpu.memory_space<hbm>>
    tpu.enqueue_dma source(%dma_start3A_7 : memref<4x4x128xi32, #tpu.memory_space<hbm>>) target(%arg7 : memref<4x4x128xi32, #tpu.memory_space<vmem>>) target_semaphore(%arg12 : memref<!tpu.dma_semaphore, #tpu.memory_space<semaphore_mem>>)
    %dma_wait3A = arith.constant 0 : i32
    %dma_wait3A_8 = arith.constant 0 : i32
    %dma_wait3A_9 = tpu.memref_slice %arg5[%dma_wait3A, %mul3A_2, %dma_wait3A_8] : memref<4x128x128xi32, #tpu.memory_space<hbm>> -> memref<4x4x128xi32, #tpu.memory_space<hbm>>
    %dma_wait3A_10 = arith.constant 0 : i32
    %dma_wait3A_11 = arith.constant 0 : i32
    %dma_wait3A_12 = tpu.memref_slice %arg5[%dma_wait3A_10, %mul3A_2, %dma_wait3A_11] : memref<4x128x128xi32, #tpu.memory_space<hbm>> -> memref<4x4x128xi32, #tpu.memory_space<hbm>>
    tpu.wait_dma2 semaphore(%arg12 : memref<!tpu.dma_semaphore, #tpu.memory_space<semaphore_mem>>) src(%dma_wait3A_12 : memref<4x4x128xi32, #tpu.memory_space<hbm>>) dst(%arg7 : memref<4x4x128xi32, #tpu.memory_space<vmem>>)
    %dma_start3A_13 = arith.constant 0 : i32
    %dma_start3A_14 = arith.constant 0 : i32
    %dma_start3A_15 = arith.constant 0 : i32
    %dma_start3A_16 = arith.constant 0 : i32
    %dma_start3A_17 = tpu.memref_slice %arg8[%dma_start3A_15, %dma_start3A_16] : memref<4x128xf32, #tpu.memory_space<vmem>> -> memref<1x128xf32, #tpu.memory_space<vmem>>
    %dma_start3A_18 = tpu.memref_squeeze %dma_start3A_17 : memref<1x128xf32, #tpu.memory_space<vmem>> -> memref<128xf32, #tpu.memory_space<vmem>>
    %dma_start3A_19 = arith.constant 0 : i32
    %dma_start3A_20 = tpu.memref_slice %arg7[%dma_start3A_13, %dma_start3A_14, %dma_start3A_19] : memref<4x4x128xi32, #tpu.memory_space<vmem>> -> memref<1x1x128xi32, #tpu.memory_space<vmem>>
    %dma_start3A_21 = tpu.memref_squeeze %dma_start3A_20 : memref<1x1x128xi32, #tpu.memory_space<vmem>> -> memref<128xi32, #tpu.memory_space<vmem>>
    %dma_start3A_22 = arith.constant 0 : i32
    %dma_start3A_23 = tpu.memref_slice %arg2[%dma_start3A_22] : memref<1048576xf32, #tpu.memory_space<hbm>> -> memref<1048576xf32, #tpu.memory_space<hbm>>
    tpu.enqueue_indirect_dma source(%dma_start3A_23 : memref<1048576xf32, #tpu.memory_space<hbm>>) target(%dma_start3A_18 : memref<128xf32, #tpu.memory_space<vmem>>) offsets(%dma_start3A_21 : memref<128xi32, #tpu.memory_space<vmem>>) semaphore(%arg12 : memref<!tpu.dma_semaphore, #tpu.memory_space<semaphore_mem>>)
    %dma_start3A_24 = arith.constant 1 : i32
    %dma_start3A_25 = arith.constant 0 : i32
    %dma_start3A_26 = arith.constant 0 : i32
    %dma_start3A_27 = arith.constant 0 : i32
    %dma_start3A_28 = tpu.memref_slice %arg9[%dma_start3A_26, %dma_start3A_27] : memref<4x128xf32, #tpu.memory_space<vmem>> -> memref<1x128xf32, #tpu.memory_space<vmem>>
    %dma_start3A_29 = tpu.memref_squeeze %dma_start3A_28 : memref<1x128xf32, #tpu.memory_space<vmem>> -> memref<128xf32, #tpu.memory_space<vmem>>
    %dma_start3A_30 = arith.constant 0 : i32
    %dma_start3A_31 = tpu.memref_slice %arg7[%dma_start3A_24, %dma_start3A_25, %dma_start3A_30] : memref<4x4x128xi32, #tpu.memory_space<vmem>> -> memref<1x1x128xi32, #tpu.memory_space<vmem>>
    %dma_start3A_32 = tpu.memref_squeeze %dma_start3A_31 : memref<1x1x128xi32, #tpu.memory_space<vmem>> -> memref<128xi32, #tpu.memory_space<vmem>>
    %dma_start3A_33 = arith.constant 0 : i32
    %dma_start3A_34 = tpu.memref_slice %arg3[%dma_start3A_33] : memref<1048576xf32, #tpu.memory_space<hbm>> -> memref<1048576xf32, #tpu.memory_space<hbm>>
    tpu.enqueue_indirect_dma source(%dma_start3A_34 : memref<1048576xf32, #tpu.memory_space<hbm>>) target(%dma_start3A_29 : memref<128xf32, #tpu.memory_space<vmem>>) offsets(%dma_start3A_32 : memref<128xi32, #tpu.memory_space<vmem>>) semaphore(%arg12 : memref<!tpu.dma_semaphore, #tpu.memory_space<semaphore_mem>>)
    %dma_start3A_35 = arith.constant 2 : i32
    %dma_start3A_36 = arith.constant 0 : i32
    %dma_start3A_37 = arith.constant 0 : i32
    %dma_start3A_38 = arith.constant 0 : i32
    %dma_start3A_39 = tpu.memref_slice %arg10[%dma_start3A_37, %dma_start3A_38] : memref<4x128xf32, #tpu.memory_space<vmem>> -> memref<1x128xf32, #tpu.memory_space<vmem>>
    %dma_start3A_40 = tpu.memref_squeeze %dma_start3A_39 : memref<1x128xf32, #tpu.memory_space<vmem>> -> memref<128xf32, #tpu.memory_space<vmem>>
    %dma_start3A_41 = arith.constant 0 : i32
    %dma_start3A_42 = tpu.memref_slice %arg7[%dma_start3A_35, %dma_start3A_36, %dma_start3A_41] : memref<4x4x128xi32, #tpu.memory_space<vmem>> -> memref<1x1x128xi32, #tpu.memory_space<vmem>>
    %dma_start3A_43 = tpu.memref_squeeze %dma_start3A_42 : memref<1x1x128xi32, #tpu.memory_space<vmem>> -> memref<128xi32, #tpu.memory_space<vmem>>
    %dma_start3A_44 = arith.constant 0 : i32
    %dma_start3A_45 = tpu.memref_slice %arg4[%dma_start3A_44] : memref<1048576xf32, #tpu.memory_space<hbm>> -> memref<1048576xf32, #tpu.memory_space<hbm>>
    tpu.enqueue_indirect_dma source(%dma_start3A_45 : memref<1048576xf32, #tpu.memory_space<hbm>>) target(%dma_start3A_40 : memref<128xf32, #tpu.memory_space<vmem>>) offsets(%dma_start3A_43 : memref<128xi32, #tpu.memory_space<vmem>>) semaphore(%arg12 : memref<!tpu.dma_semaphore, #tpu.memory_space<semaphore_mem>>)
    %dma_start3A_46 = arith.constant 0 : i32
    %dma_start3A_47 = arith.constant 1 : i32
    %dma_start3A_48 = arith.constant 1 : i32
    %dma_start3A_49 = arith.constant 0 : i32
    %dma_start3A_50 = tpu.memref_slice %arg8[%dma_start3A_48, %dma_start3A_49] : memref<4x128xf32, #tpu.memory_space<vmem>> -> memref<1x128xf32, #tpu.memory_space<vmem>>
    %dma_start3A_51 = tpu.memref_squeeze %dma_start3A_50 : memref<1x128xf32, #tpu.memory_space<vmem>> -> memref<128xf32, #tpu.memory_space<vmem>>
    %dma_start3A_52 = arith.constant 0 : i32
    %dma_start3A_53 = tpu.memref_slice %arg7[%dma_start3A_46, %dma_start3A_47, %dma_start3A_52] : memref<4x4x128xi32, #tpu.memory_space<vmem>> -> memref<1x1x128xi32, #tpu.memory_space<vmem>>
    %dma_start3A_54 = tpu.memref_squeeze %dma_start3A_53 : memref<1x1x128xi32, #tpu.memory_space<vmem>> -> memref<128xi32, #tpu.memory_space<vmem>>
    %dma_start3A_55 = arith.constant 0 : i32
    %dma_start3A_56 = tpu.memref_slice %arg2[%dma_start3A_55] : memref<1048576xf32, #tpu.memory_space<hbm>> -> memref<1048576xf32, #tpu.memory_space<hbm>>
    tpu.enqueue_indirect_dma source(%dma_start3A_56 : memref<1048576xf32, #tpu.memory_space<hbm>>) target(%dma_start3A_51 : memref<128xf32, #tpu.memory_space<vmem>>) offsets(%dma_start3A_54 : memref<128xi32, #tpu.memory_space<vmem>>) semaphore(%arg12 : memref<!tpu.dma_semaphore, #tpu.memory_space<semaphore_mem>>)
    %dma_start3A_57 = arith.constant 1 : i32
    %dma_start3A_58 = arith.constant 1 : i32
    %dma_start3A_59 = arith.constant 1 : i32
    %dma_start3A_60 = arith.constant 0 : i32
    %dma_start3A_61 = tpu.memref_slice %arg9[%dma_start3A_59, %dma_start3A_60] : memref<4x128xf32, #tpu.memory_space<vmem>> -> memref<1x128xf32, #tpu.memory_space<vmem>>
    %dma_start3A_62 = tpu.memref_squeeze %dma_start3A_61 : memref<1x128xf32, #tpu.memory_space<vmem>> -> memref<128xf32, #tpu.memory_space<vmem>>
    %dma_start3A_63 = arith.constant 0 : i32
    %dma_start3A_64 = tpu.memref_slice %arg7[%dma_start3A_57, %dma_start3A_58, %dma_start3A_63] : memref<4x4x128xi32, #tpu.memory_space<vmem>> -> memref<1x1x128xi32, #tpu.memory_space<vmem>>
    %dma_start3A_65 = tpu.memref_squeeze %dma_start3A_64 : memref<1x1x128xi32, #tpu.memory_space<vmem>> -> memref<128xi32, #tpu.memory_space<vmem>>
    %dma_start3A_66 = arith.constant 0 : i32
    %dma_start3A_67 = tpu.memref_slice %arg3[%dma_start3A_66] : memref<1048576xf32, #tpu.memory_space<hbm>> -> memref<1048576xf32, #tpu.memory_space<hbm>>
    tpu.enqueue_indirect_dma source(%dma_start3A_67 : memref<1048576xf32, #tpu.memory_space<hbm>>) target(%dma_start3A_62 : memref<128xf32, #tpu.memory_space<vmem>>) offsets(%dma_start3A_65 : memref<128xi32, #tpu.memory_space<vmem>>) semaphore(%arg12 : memref<!tpu.dma_semaphore, #tpu.memory_space<semaphore_mem>>)
    %dma_start3A_68 = arith.constant 2 : i32
    %dma_start3A_69 = arith.constant 1 : i32
    %dma_start3A_70 = arith.constant 1 : i32
    %dma_start3A_71 = arith.constant 0 : i32
    %dma_start3A_72 = tpu.memref_slice %arg10[%dma_start3A_70, %dma_start3A_71] : memref<4x128xf32, #tpu.memory_space<vmem>> -> memref<1x128xf32, #tpu.memory_space<vmem>>
    %dma_start3A_73 = tpu.memref_squeeze %dma_start3A_72 : memref<1x128xf32, #tpu.memory_space<vmem>> -> memref<128xf32, #tpu.memory_space<vmem>>
    %dma_start3A_74 = arith.constant 0 : i32
    %dma_start3A_75 = tpu.memref_slice %arg7[%dma_start3A_68, %dma_start3A_69, %dma_start3A_74] : memref<4x4x128xi32, #tpu.memory_space<vmem>> -> memref<1x1x128xi32, #tpu.memory_space<vmem>>
    %dma_start3A_76 = tpu.memref_squeeze %dma_start3A_75 : memref<1x1x128xi32, #tpu.memory_space<vmem>> -> memref<128xi32, #tpu.memory_space<vmem>>
    %dma_start3A_77 = arith.constant 0 : i32
    %dma_start3A_78 = tpu.memref_slice %arg4[%dma_start3A_77] : memref<1048576xf32, #tpu.memory_space<hbm>> -> memref<1048576xf32, #tpu.memory_space<hbm>>
    tpu.enqueue_indirect_dma source(%dma_start3A_78 : memref<1048576xf32, #tpu.memory_space<hbm>>) target(%dma_start3A_73 : memref<128xf32, #tpu.memory_space<vmem>>) offsets(%dma_start3A_76 : memref<128xi32, #tpu.memory_space<vmem>>) semaphore(%arg12 : memref<!tpu.dma_semaphore, #tpu.memory_space<semaphore_mem>>)
    %dma_start3A_79 = arith.constant 0 : i32
    %dma_start3A_80 = arith.constant 2 : i32
    %dma_start3A_81 = arith.constant 2 : i32
    %dma_start3A_82 = arith.constant 0 : i32
    %dma_start3A_83 = tpu.memref_slice %arg8[%dma_start3A_81, %dma_start3A_82] : memref<4x128xf32, #tpu.memory_space<vmem>> -> memref<1x128xf32, #tpu.memory_space<vmem>>
    %dma_start3A_84 = tpu.memref_squeeze %dma_start3A_83 : memref<1x128xf32, #tpu.memory_space<vmem>> -> memref<128xf32, #tpu.memory_space<vmem>>
    %dma_start3A_85 = arith.constant 0 : i32
    %dma_start3A_86 = tpu.memref_slice %arg7[%dma_start3A_79, %dma_start3A_80, %dma_start3A_85] : memref<4x4x128xi32, #tpu.memory_space<vmem>> -> memref<1x1x128xi32, #tpu.memory_space<vmem>>
    %dma_start3A_87 = tpu.memref_squeeze %dma_start3A_86 : memref<1x1x128xi32, #tpu.memory_space<vmem>> -> memref<128xi32, #tpu.memory_space<vmem>>
    %dma_start3A_88 = arith.constant 0 : i32
    %dma_start3A_89 = tpu.memref_slice %arg2[%dma_start3A_88] : memref<1048576xf32, #tpu.memory_space<hbm>> -> memref<1048576xf32, #tpu.memory_space<hbm>>
    tpu.enqueue_indirect_dma source(%dma_start3A_89 : memref<1048576xf32, #tpu.memory_space<hbm>>) target(%dma_start3A_84 : memref<128xf32, #tpu.memory_space<vmem>>) offsets(%dma_start3A_87 : memref<128xi32, #tpu.memory_space<vmem>>) semaphore(%arg12 : memref<!tpu.dma_semaphore, #tpu.memory_space<semaphore_mem>>)
    %dma_start3A_90 = arith.constant 1 : i32
    %dma_start3A_91 = arith.constant 2 : i32
    %dma_start3A_92 = arith.constant 2 : i32
    %dma_start3A_93 = arith.constant 0 : i32
    %dma_start3A_94 = tpu.memref_slice %arg9[%dma_start3A_92, %dma_start3A_93] : memref<4x128xf32, #tpu.memory_space<vmem>> -> memref<1x128xf32, #tpu.memory_space<vmem>>
    %dma_start3A_95 = tpu.memref_squeeze %dma_start3A_94 : memref<1x128xf32, #tpu.memory_space<vmem>> -> memref<128xf32, #tpu.memory_space<vmem>>
    %dma_start3A_96 = arith.constant 0 : i32
    %dma_start3A_97 = tpu.memref_slice %arg7[%dma_start3A_90, %dma_start3A_91, %dma_start3A_96] : memref<4x4x128xi32, #tpu.memory_space<vmem>> -> memref<1x1x128xi32, #tpu.memory_space<vmem>>
    %dma_start3A_98 = tpu.memref_squeeze %dma_start3A_97 : memref<1x1x128xi32, #tpu.memory_space<vmem>> -> memref<128xi32, #tpu.memory_space<vmem>>
    %dma_start3A_99 = arith.constant 0 : i32
    %dma_start3A_100 = tpu.memref_slice %arg3[%dma_start3A_99] : memref<1048576xf32, #tpu.memory_space<hbm>> -> memref<1048576xf32, #tpu.memory_space<hbm>>
    tpu.enqueue_indirect_dma source(%dma_start3A_100 : memref<1048576xf32, #tpu.memory_space<hbm>>) target(%dma_start3A_95 : memref<128xf32, #tpu.memory_space<vmem>>) offsets(%dma_start3A_98 : memref<128xi32, #tpu.memory_space<vmem>>) semaphore(%arg12 : memref<!tpu.dma_semaphore, #tpu.memory_space<semaphore_mem>>)
    %dma_start3A_101 = arith.constant 2 : i32
    %dma_start3A_102 = arith.constant 2 : i32
    %dma_start3A_103 = arith.constant 2 : i32
    %dma_start3A_104 = arith.constant 0 : i32
    %dma_start3A_105 = tpu.memref_slice %arg10[%dma_start3A_103, %dma_start3A_104] : memref<4x128xf32, #tpu.memory_space<vmem>> -> memref<1x128xf32, #tpu.memory_space<vmem>>
    %dma_start3A_106 = tpu.memref_squeeze %dma_start3A_105 : memref<1x128xf32, #tpu.memory_space<vmem>> -> memref<128xf32, #tpu.memory_space<vmem>>
    %dma_start3A_107 = arith.constant 0 : i32
    %dma_start3A_108 = tpu.memref_slice %arg7[%dma_start3A_101, %dma_start3A_102, %dma_start3A_107] : memref<4x4x128xi32, #tpu.memory_space<vmem>> -> memref<1x1x128xi32, #tpu.memory_space<vmem>>
    %dma_start3A_109 = tpu.memref_squeeze %dma_start3A_108 : memref<1x1x128xi32, #tpu.memory_space<vmem>> -> memref<128xi32, #tpu.memory_space<vmem>>
    %dma_start3A_110 = arith.constant 0 : i32
    %dma_start3A_111 = tpu.memref_slice %arg4[%dma_start3A_110] : memref<1048576xf32, #tpu.memory_space<hbm>> -> memref<1048576xf32, #tpu.memory_space<hbm>>
    tpu.enqueue_indirect_dma source(%dma_start3A_111 : memref<1048576xf32, #tpu.memory_space<hbm>>) target(%dma_start3A_106 : memref<128xf32, #tpu.memory_space<vmem>>) offsets(%dma_start3A_109 : memref<128xi32, #tpu.memory_space<vmem>>) semaphore(%arg12 : memref<!tpu.dma_semaphore, #tpu.memory_space<semaphore_mem>>)
    %dma_start3A_112 = arith.constant 0 : i32
    %dma_start3A_113 = arith.constant 3 : i32
    %dma_start3A_114 = arith.constant 3 : i32
    %dma_start3A_115 = arith.constant 0 : i32
    %dma_start3A_116 = tpu.memref_slice %arg8[%dma_start3A_114, %dma_start3A_115] : memref<4x128xf32, #tpu.memory_space<vmem>> -> memref<1x128xf32, #tpu.memory_space<vmem>>
    %dma_start3A_117 = tpu.memref_squeeze %dma_start3A_116 : memref<1x128xf32, #tpu.memory_space<vmem>> -> memref<128xf32, #tpu.memory_space<vmem>>
    %dma_start3A_118 = arith.constant 0 : i32
    %dma_start3A_119 = tpu.memref_slice %arg7[%dma_start3A_112, %dma_start3A_113, %dma_start3A_118] : memref<4x4x128xi32, #tpu.memory_space<vmem>> -> memref<1x1x128xi32, #tpu.memory_space<vmem>>
    %dma_start3A_120 = tpu.memref_squeeze %dma_start3A_119 : memref<1x1x128xi32, #tpu.memory_space<vmem>> -> memref<128xi32, #tpu.memory_space<vmem>>
    %dma_start3A_121 = arith.constant 0 : i32
    %dma_start3A_122 = tpu.memref_slice %arg2[%dma_start3A_121] : memref<1048576xf32, #tpu.memory_space<hbm>> -> memref<1048576xf32, #tpu.memory_space<hbm>>
    tpu.enqueue_indirect_dma source(%dma_start3A_122 : memref<1048576xf32, #tpu.memory_space<hbm>>) target(%dma_start3A_117 : memref<128xf32, #tpu.memory_space<vmem>>) offsets(%dma_start3A_120 : memref<128xi32, #tpu.memory_space<vmem>>) semaphore(%arg12 : memref<!tpu.dma_semaphore, #tpu.memory_space<semaphore_mem>>)
    %dma_start3A_123 = arith.constant 1 : i32
    %dma_start3A_124 = arith.constant 3 : i32
    %dma_start3A_125 = arith.constant 3 : i32
    %dma_start3A_126 = arith.constant 0 : i32
    %dma_start3A_127 = tpu.memref_slice %arg9[%dma_start3A_125, %dma_start3A_126] : memref<4x128xf32, #tpu.memory_space<vmem>> -> memref<1x128xf32, #tpu.memory_space<vmem>>
    %dma_start3A_128 = tpu.memref_squeeze %dma_start3A_127 : memref<1x128xf32, #tpu.memory_space<vmem>> -> memref<128xf32, #tpu.memory_space<vmem>>
    %dma_start3A_129 = arith.constant 0 : i32
    %dma_start3A_130 = tpu.memref_slice %arg7[%dma_start3A_123, %dma_start3A_124, %dma_start3A_129] : memref<4x4x128xi32, #tpu.memory_space<vmem>> -> memref<1x1x128xi32, #tpu.memory_space<vmem>>
    %dma_start3A_131 = tpu.memref_squeeze %dma_start3A_130 : memref<1x1x128xi32, #tpu.memory_space<vmem>> -> memref<128xi32, #tpu.memory_space<vmem>>
    %dma_start3A_132 = arith.constant 0 : i32
    %dma_start3A_133 = tpu.memref_slice %arg3[%dma_start3A_132] : memref<1048576xf32, #tpu.memory_space<hbm>> -> memref<1048576xf32, #tpu.memory_space<hbm>>
    tpu.enqueue_indirect_dma source(%dma_start3A_133 : memref<1048576xf32, #tpu.memory_space<hbm>>) target(%dma_start3A_128 : memref<128xf32, #tpu.memory_space<vmem>>) offsets(%dma_start3A_131 : memref<128xi32, #tpu.memory_space<vmem>>) semaphore(%arg12 : memref<!tpu.dma_semaphore, #tpu.memory_space<semaphore_mem>>)
    %dma_start3A_134 = arith.constant 2 : i32
    %dma_start3A_135 = arith.constant 3 : i32
    %dma_start3A_136 = arith.constant 3 : i32
    %dma_start3A_137 = arith.constant 0 : i32
    %dma_start3A_138 = tpu.memref_slice %arg10[%dma_start3A_136, %dma_start3A_137] : memref<4x128xf32, #tpu.memory_space<vmem>> -> memref<1x128xf32, #tpu.memory_space<vmem>>
    %dma_start3A_139 = tpu.memref_squeeze %dma_start3A_138 : memref<1x128xf32, #tpu.memory_space<vmem>> -> memref<128xf32, #tpu.memory_space<vmem>>
    %dma_start3A_140 = arith.constant 0 : i32
    %dma_start3A_141 = tpu.memref_slice %arg7[%dma_start3A_134, %dma_start3A_135, %dma_start3A_140] : memref<4x4x128xi32, #tpu.memory_space<vmem>> -> memref<1x1x128xi32, #tpu.memory_space<vmem>>
    %dma_start3A_142 = tpu.memref_squeeze %dma_start3A_141 : memref<1x1x128xi32, #tpu.memory_space<vmem>> -> memref<128xi32, #tpu.memory_space<vmem>>
    %dma_start3A_143 = arith.constant 0 : i32
    %dma_start3A_144 = tpu.memref_slice %arg4[%dma_start3A_143] : memref<1048576xf32, #tpu.memory_space<hbm>> -> memref<1048576xf32, #tpu.memory_space<hbm>>
    tpu.enqueue_indirect_dma source(%dma_start3A_144 : memref<1048576xf32, #tpu.memory_space<hbm>>) target(%dma_start3A_139 : memref<128xf32, #tpu.memory_space<vmem>>) offsets(%dma_start3A_142 : memref<128xi32, #tpu.memory_space<vmem>>) semaphore(%arg12 : memref<!tpu.dma_semaphore, #tpu.memory_space<semaphore_mem>>)
    %dma_wait3A_145 = arith.constant 0 : i32
    %dma_wait3A_146 = arith.constant 0 : i32
    %dma_wait3A_147 = arith.constant 0 : i32
    %dma_wait3A_148 = arith.constant 0 : i32
    %dma_wait3A_149 = tpu.memref_slice %arg8[%dma_wait3A_147, %dma_wait3A_148] : memref<4x128xf32, #tpu.memory_space<vmem>> -> memref<1x128xf32, #tpu.memory_space<vmem>>
    %dma_wait3A_150 = tpu.memref_squeeze %dma_wait3A_149 : memref<1x128xf32, #tpu.memory_space<vmem>> -> memref<128xf32, #tpu.memory_space<vmem>>
    %dma_wait3A_151 = arith.constant 0 : i32
    %dma_wait3A_152 = tpu.memref_slice %arg7[%dma_wait3A_145, %dma_wait3A_146, %dma_wait3A_151] : memref<4x4x128xi32, #tpu.memory_space<vmem>> -> memref<1x1x128xi32, #tpu.memory_space<vmem>>
    %dma_wait3A_153 = tpu.memref_squeeze %dma_wait3A_152 : memref<1x1x128xi32, #tpu.memory_space<vmem>> -> memref<128xi32, #tpu.memory_space<vmem>>
    %dma_wait3A_154 = arith.constant 0 : i32
    %dma_wait3A_155 = tpu.memref_slice %arg2[%dma_wait3A_154] : memref<1048576xf32, #tpu.memory_space<hbm>> -> memref<1048576xf32, #tpu.memory_space<hbm>>
    tpu.wait_indirect_dma semaphore(%arg12 : memref<!tpu.dma_semaphore, #tpu.memory_space<semaphore_mem>>) src(%dma_wait3A_155 : memref<1048576xf32, #tpu.memory_space<hbm>>) dst(%dma_wait3A_150 : memref<128xf32, #tpu.memory_space<vmem>>)
    %dma_wait3A_156 = arith.constant 1 : i32
    %dma_wait3A_157 = arith.constant 0 : i32
    %dma_wait3A_158 = arith.constant 0 : i32
    %dma_wait3A_159 = arith.constant 0 : i32
    %dma_wait3A_160 = tpu.memref_slice %arg9[%dma_wait3A_158, %dma_wait3A_159] : memref<4x128xf32, #tpu.memory_space<vmem>> -> memref<1x128xf32, #tpu.memory_space<vmem>>
    %dma_wait3A_161 = tpu.memref_squeeze %dma_wait3A_160 : memref<1x128xf32, #tpu.memory_space<vmem>> -> memref<128xf32, #tpu.memory_space<vmem>>
    %dma_wait3A_162 = arith.constant 0 : i32
    %dma_wait3A_163 = tpu.memref_slice %arg7[%dma_wait3A_156, %dma_wait3A_157, %dma_wait3A_162] : memref<4x4x128xi32, #tpu.memory_space<vmem>> -> memref<1x1x128xi32, #tpu.memory_space<vmem>>
    %dma_wait3A_164 = tpu.memref_squeeze %dma_wait3A_163 : memref<1x1x128xi32, #tpu.memory_space<vmem>> -> memref<128xi32, #tpu.memory_space<vmem>>
    %dma_wait3A_165 = arith.constant 0 : i32
    %dma_wait3A_166 = tpu.memref_slice %arg3[%dma_wait3A_165] : memref<1048576xf32, #tpu.memory_space<hbm>> -> memref<1048576xf32, #tpu.memory_space<hbm>>
    tpu.wait_indirect_dma semaphore(%arg12 : memref<!tpu.dma_semaphore, #tpu.memory_space<semaphore_mem>>) src(%dma_wait3A_166 : memref<1048576xf32, #tpu.memory_space<hbm>>) dst(%dma_wait3A_161 : memref<128xf32, #tpu.memory_space<vmem>>)
    %dma_wait3A_167 = arith.constant 2 : i32
    %dma_wait3A_168 = arith.constant 0 : i32
    %dma_wait3A_169 = arith.constant 0 : i32
    %dma_wait3A_170 = arith.constant 0 : i32
    %dma_wait3A_171 = tpu.memref_slice %arg10[%dma_wait3A_169, %dma_wait3A_170] : memref<4x128xf32, #tpu.memory_space<vmem>> -> memref<1x128xf32, #tpu.memory_space<vmem>>
    %dma_wait3A_172 = tpu.memref_squeeze %dma_wait3A_171 : memref<1x128xf32, #tpu.memory_space<vmem>> -> memref<128xf32, #tpu.memory_space<vmem>>
    %dma_wait3A_173 = arith.constant 0 : i32
    %dma_wait3A_174 = tpu.memref_slice %arg7[%dma_wait3A_167, %dma_wait3A_168, %dma_wait3A_173] : memref<4x4x128xi32, #tpu.memory_space<vmem>> -> memref<1x1x128xi32, #tpu.memory_space<vmem>>
    %dma_wait3A_175 = tpu.memref_squeeze %dma_wait3A_174 : memref<1x1x128xi32, #tpu.memory_space<vmem>> -> memref<128xi32, #tpu.memory_space<vmem>>
    %dma_wait3A_176 = arith.constant 0 : i32
    %dma_wait3A_177 = tpu.memref_slice %arg4[%dma_wait3A_176] : memref<1048576xf32, #tpu.memory_space<hbm>> -> memref<1048576xf32, #tpu.memory_space<hbm>>
    tpu.wait_indirect_dma semaphore(%arg12 : memref<!tpu.dma_semaphore, #tpu.memory_space<semaphore_mem>>) src(%dma_wait3A_177 : memref<1048576xf32, #tpu.memory_space<hbm>>) dst(%dma_wait3A_172 : memref<128xf32, #tpu.memory_space<vmem>>)
    %dma_wait3A_178 = arith.constant 0 : i32
    %dma_wait3A_179 = arith.constant 1 : i32
    %dma_wait3A_180 = arith.constant 1 : i32
    %dma_wait3A_181 = arith.constant 0 : i32
    %dma_wait3A_182 = tpu.memref_slice %arg8[%dma_wait3A_180, %dma_wait3A_181] : memref<4x128xf32, #tpu.memory_space<vmem>> -> memref<1x128xf32, #tpu.memory_space<vmem>>
    %dma_wait3A_183 = tpu.memref_squeeze %dma_wait3A_182 : memref<1x128xf32, #tpu.memory_space<vmem>> -> memref<128xf32, #tpu.memory_space<vmem>>
    %dma_wait3A_184 = arith.constant 0 : i32
    %dma_wait3A_185 = tpu.memref_slice %arg7[%dma_wait3A_178, %dma_wait3A_179, %dma_wait3A_184] : memref<4x4x128xi32, #tpu.memory_space<vmem>> -> memref<1x1x128xi32, #tpu.memory_space<vmem>>
    %dma_wait3A_186 = tpu.memref_squeeze %dma_wait3A_185 : memref<1x1x128xi32, #tpu.memory_space<vmem>> -> memref<128xi32, #tpu.memory_space<vmem>>
    %dma_wait3A_187 = arith.constant 0 : i32
    %dma_wait3A_188 = tpu.memref_slice %arg2[%dma_wait3A_187] : memref<1048576xf32, #tpu.memory_space<hbm>> -> memref<1048576xf32, #tpu.memory_space<hbm>>
    tpu.wait_indirect_dma semaphore(%arg12 : memref<!tpu.dma_semaphore, #tpu.memory_space<semaphore_mem>>) src(%dma_wait3A_188 : memref<1048576xf32, #tpu.memory_space<hbm>>) dst(%dma_wait3A_183 : memref<128xf32, #tpu.memory_space<vmem>>)
    %dma_wait3A_189 = arith.constant 1 : i32
    %dma_wait3A_190 = arith.constant 1 : i32
    %dma_wait3A_191 = arith.constant 1 : i32
    %dma_wait3A_192 = arith.constant 0 : i32
    %dma_wait3A_193 = tpu.memref_slice %arg9[%dma_wait3A_191, %dma_wait3A_192] : memref<4x128xf32, #tpu.memory_space<vmem>> -> memref<1x128xf32, #tpu.memory_space<vmem>>
    %dma_wait3A_194 = tpu.memref_squeeze %dma_wait3A_193 : memref<1x128xf32, #tpu.memory_space<vmem>> -> memref<128xf32, #tpu.memory_space<vmem>>
    %dma_wait3A_195 = arith.constant 0 : i32
    %dma_wait3A_196 = tpu.memref_slice %arg7[%dma_wait3A_189, %dma_wait3A_190, %dma_wait3A_195] : memref<4x4x128xi32, #tpu.memory_space<vmem>> -> memref<1x1x128xi32, #tpu.memory_space<vmem>>
    %dma_wait3A_197 = tpu.memref_squeeze %dma_wait3A_196 : memref<1x1x128xi32, #tpu.memory_space<vmem>> -> memref<128xi32, #tpu.memory_space<vmem>>
    %dma_wait3A_198 = arith.constant 0 : i32
    %dma_wait3A_199 = tpu.memref_slice %arg3[%dma_wait3A_198] : memref<1048576xf32, #tpu.memory_space<hbm>> -> memref<1048576xf32, #tpu.memory_space<hbm>>
    tpu.wait_indirect_dma semaphore(%arg12 : memref<!tpu.dma_semaphore, #tpu.memory_space<semaphore_mem>>) src(%dma_wait3A_199 : memref<1048576xf32, #tpu.memory_space<hbm>>) dst(%dma_wait3A_194 : memref<128xf32, #tpu.memory_space<vmem>>)
    %dma_wait3A_200 = arith.constant 2 : i32
    %dma_wait3A_201 = arith.constant 1 : i32
    %dma_wait3A_202 = arith.constant 1 : i32
    %dma_wait3A_203 = arith.constant 0 : i32
    %dma_wait3A_204 = tpu.memref_slice %arg10[%dma_wait3A_202, %dma_wait3A_203] : memref<4x128xf32, #tpu.memory_space<vmem>> -> memref<1x128xf32, #tpu.memory_space<vmem>>
    %dma_wait3A_205 = tpu.memref_squeeze %dma_wait3A_204 : memref<1x128xf32, #tpu.memory_space<vmem>> -> memref<128xf32, #tpu.memory_space<vmem>>
    %dma_wait3A_206 = arith.constant 0 : i32
    %dma_wait3A_207 = tpu.memref_slice %arg7[%dma_wait3A_200, %dma_wait3A_201, %dma_wait3A_206] : memref<4x4x128xi32, #tpu.memory_space<vmem>> -> memref<1x1x128xi32, #tpu.memory_space<vmem>>
    %dma_wait3A_208 = tpu.memref_squeeze %dma_wait3A_207 : memref<1x1x128xi32, #tpu.memory_space<vmem>> -> memref<128xi32, #tpu.memory_space<vmem>>
    %dma_wait3A_209 = arith.constant 0 : i32
    %dma_wait3A_210 = tpu.memref_slice %arg4[%dma_wait3A_209] : memref<1048576xf32, #tpu.memory_space<hbm>> -> memref<1048576xf32, #tpu.memory_space<hbm>>
    tpu.wait_indirect_dma semaphore(%arg12 : memref<!tpu.dma_semaphore, #tpu.memory_space<semaphore_mem>>) src(%dma_wait3A_210 : memref<1048576xf32, #tpu.memory_space<hbm>>) dst(%dma_wait3A_205 : memref<128xf32, #tpu.memory_space<vmem>>)
    %dma_wait3A_211 = arith.constant 0 : i32
    %dma_wait3A_212 = arith.constant 2 : i32
    %dma_wait3A_213 = arith.constant 2 : i32
    %dma_wait3A_214 = arith.constant 0 : i32
    %dma_wait3A_215 = tpu.memref_slice %arg8[%dma_wait3A_213, %dma_wait3A_214] : memref<4x128xf32, #tpu.memory_space<vmem>> -> memref<1x128xf32, #tpu.memory_space<vmem>>
    %dma_wait3A_216 = tpu.memref_squeeze %dma_wait3A_215 : memref<1x128xf32, #tpu.memory_space<vmem>> -> memref<128xf32, #tpu.memory_space<vmem>>
    %dma_wait3A_217 = arith.constant 0 : i32
    %dma_wait3A_218 = tpu.memref_slice %arg7[%dma_wait3A_211, %dma_wait3A_212, %dma_wait3A_217] : memref<4x4x128xi32, #tpu.memory_space<vmem>> -> memref<1x1x128xi32, #tpu.memory_space<vmem>>
    %dma_wait3A_219 = tpu.memref_squeeze %dma_wait3A_218 : memref<1x1x128xi32, #tpu.memory_space<vmem>> -> memref<128xi32, #tpu.memory_space<vmem>>
    %dma_wait3A_220 = arith.constant 0 : i32
    %dma_wait3A_221 = tpu.memref_slice %arg2[%dma_wait3A_220] : memref<1048576xf32, #tpu.memory_space<hbm>> -> memref<1048576xf32, #tpu.memory_space<hbm>>
    tpu.wait_indirect_dma semaphore(%arg12 : memref<!tpu.dma_semaphore, #tpu.memory_space<semaphore_mem>>) src(%dma_wait3A_221 : memref<1048576xf32, #tpu.memory_space<hbm>>) dst(%dma_wait3A_216 : memref<128xf32, #tpu.memory_space<vmem>>)
    %dma_wait3A_222 = arith.constant 1 : i32
    %dma_wait3A_223 = arith.constant 2 : i32
    %dma_wait3A_224 = arith.constant 2 : i32
    %dma_wait3A_225 = arith.constant 0 : i32
    %dma_wait3A_226 = tpu.memref_slice %arg9[%dma_wait3A_224, %dma_wait3A_225] : memref<4x128xf32, #tpu.memory_space<vmem>> -> memref<1x128xf32, #tpu.memory_space<vmem>>
    %dma_wait3A_227 = tpu.memref_squeeze %dma_wait3A_226 : memref<1x128xf32, #tpu.memory_space<vmem>> -> memref<128xf32, #tpu.memory_space<vmem>>
    %dma_wait3A_228 = arith.constant 0 : i32
    %dma_wait3A_229 = tpu.memref_slice %arg7[%dma_wait3A_222, %dma_wait3A_223, %dma_wait3A_228] : memref<4x4x128xi32, #tpu.memory_space<vmem>> -> memref<1x1x128xi32, #tpu.memory_space<vmem>>
    %dma_wait3A_230 = tpu.memref_squeeze %dma_wait3A_229 : memref<1x1x128xi32, #tpu.memory_space<vmem>> -> memref<128xi32, #tpu.memory_space<vmem>>
    %dma_wait3A_231 = arith.constant 0 : i32
    %dma_wait3A_232 = tpu.memref_slice %arg3[%dma_wait3A_231] : memref<1048576xf32, #tpu.memory_space<hbm>> -> memref<1048576xf32, #tpu.memory_space<hbm>>
    tpu.wait_indirect_dma semaphore(%arg12 : memref<!tpu.dma_semaphore, #tpu.memory_space<semaphore_mem>>) src(%dma_wait3A_232 : memref<1048576xf32, #tpu.memory_space<hbm>>) dst(%dma_wait3A_227 : memref<128xf32, #tpu.memory_space<vmem>>)
    %dma_wait3A_233 = arith.constant 2 : i32
    %dma_wait3A_234 = arith.constant 2 : i32
    %dma_wait3A_235 = arith.constant 2 : i32
    %dma_wait3A_236 = arith.constant 0 : i32
    %dma_wait3A_237 = tpu.memref_slice %arg10[%dma_wait3A_235, %dma_wait3A_236] : memref<4x128xf32, #tpu.memory_space<vmem>> -> memref<1x128xf32, #tpu.memory_space<vmem>>
    %dma_wait3A_238 = tpu.memref_squeeze %dma_wait3A_237 : memref<1x128xf32, #tpu.memory_space<vmem>> -> memref<128xf32, #tpu.memory_space<vmem>>
    %dma_wait3A_239 = arith.constant 0 : i32
    %dma_wait3A_240 = tpu.memref_slice %arg7[%dma_wait3A_233, %dma_wait3A_234, %dma_wait3A_239] : memref<4x4x128xi32, #tpu.memory_space<vmem>> -> memref<1x1x128xi32, #tpu.memory_space<vmem>>
    %dma_wait3A_241 = tpu.memref_squeeze %dma_wait3A_240 : memref<1x1x128xi32, #tpu.memory_space<vmem>> -> memref<128xi32, #tpu.memory_space<vmem>>
    %dma_wait3A_242 = arith.constant 0 : i32
    %dma_wait3A_243 = tpu.memref_slice %arg4[%dma_wait3A_242] : memref<1048576xf32, #tpu.memory_space<hbm>> -> memref<1048576xf32, #tpu.memory_space<hbm>>
    tpu.wait_indirect_dma semaphore(%arg12 : memref<!tpu.dma_semaphore, #tpu.memory_space<semaphore_mem>>) src(%dma_wait3A_243 : memref<1048576xf32, #tpu.memory_space<hbm>>) dst(%dma_wait3A_238 : memref<128xf32, #tpu.memory_space<vmem>>)
    %dma_wait3A_244 = arith.constant 0 : i32
    %dma_wait3A_245 = arith.constant 3 : i32
    %dma_wait3A_246 = arith.constant 3 : i32
    %dma_wait3A_247 = arith.constant 0 : i32
    %dma_wait3A_248 = tpu.memref_slice %arg8[%dma_wait3A_246, %dma_wait3A_247] : memref<4x128xf32, #tpu.memory_space<vmem>> -> memref<1x128xf32, #tpu.memory_space<vmem>>
    %dma_wait3A_249 = tpu.memref_squeeze %dma_wait3A_248 : memref<1x128xf32, #tpu.memory_space<vmem>> -> memref<128xf32, #tpu.memory_space<vmem>>
    %dma_wait3A_250 = arith.constant 0 : i32
    %dma_wait3A_251 = tpu.memref_slice %arg7[%dma_wait3A_244, %dma_wait3A_245, %dma_wait3A_250] : memref<4x4x128xi32, #tpu.memory_space<vmem>> -> memref<1x1x128xi32, #tpu.memory_space<vmem>>
    %dma_wait3A_252 = tpu.memref_squeeze %dma_wait3A_251 : memref<1x1x128xi32, #tpu.memory_space<vmem>> -> memref<128xi32, #tpu.memory_space<vmem>>
    %dma_wait3A_253 = arith.constant 0 : i32
    %dma_wait3A_254 = tpu.memref_slice %arg2[%dma_wait3A_253] : memref<1048576xf32, #tpu.memory_space<hbm>> -> memref<1048576xf32, #tpu.memory_space<hbm>>
    tpu.wait_indirect_dma semaphore(%arg12 : memref<!tpu.dma_semaphore, #tpu.memory_space<semaphore_mem>>) src(%dma_wait3A_254 : memref<1048576xf32, #tpu.memory_space<hbm>>) dst(%dma_wait3A_249 : memref<128xf32, #tpu.memory_space<vmem>>)
    %dma_wait3A_255 = arith.constant 1 : i32
    %dma_wait3A_256 = arith.constant 3 : i32
    %dma_wait3A_257 = arith.constant 3 : i32
    %dma_wait3A_258 = arith.constant 0 : i32
    %dma_wait3A_259 = tpu.memref_slice %arg9[%dma_wait3A_257, %dma_wait3A_258] : memref<4x128xf32, #tpu.memory_space<vmem>> -> memref<1x128xf32, #tpu.memory_space<vmem>>
    %dma_wait3A_260 = tpu.memref_squeeze %dma_wait3A_259 : memref<1x128xf32, #tpu.memory_space<vmem>> -> memref<128xf32, #tpu.memory_space<vmem>>
    %dma_wait3A_261 = arith.constant 0 : i32
    %dma_wait3A_262 = tpu.memref_slice %arg7[%dma_wait3A_255, %dma_wait3A_256, %dma_wait3A_261] : memref<4x4x128xi32, #tpu.memory_space<vmem>> -> memref<1x1x128xi32, #tpu.memory_space<vmem>>
    %dma_wait3A_263 = tpu.memref_squeeze %dma_wait3A_262 : memref<1x1x128xi32, #tpu.memory_space<vmem>> -> memref<128xi32, #tpu.memory_space<vmem>>
    %dma_wait3A_264 = arith.constant 0 : i32
    %dma_wait3A_265 = tpu.memref_slice %arg3[%dma_wait3A_264] : memref<1048576xf32, #tpu.memory_space<hbm>> -> memref<1048576xf32, #tpu.memory_space<hbm>>
    tpu.wait_indirect_dma semaphore(%arg12 : memref<!tpu.dma_semaphore, #tpu.memory_space<semaphore_mem>>) src(%dma_wait3A_265 : memref<1048576xf32, #tpu.memory_space<hbm>>) dst(%dma_wait3A_260 : memref<128xf32, #tpu.memory_space<vmem>>)
    %dma_wait3A_266 = arith.constant 2 : i32
    %dma_wait3A_267 = arith.constant 3 : i32
    %dma_wait3A_268 = arith.constant 3 : i32
    %dma_wait3A_269 = arith.constant 0 : i32
    %dma_wait3A_270 = tpu.memref_slice %arg10[%dma_wait3A_268, %dma_wait3A_269] : memref<4x128xf32, #tpu.memory_space<vmem>> -> memref<1x128xf32, #tpu.memory_space<vmem>>
    %dma_wait3A_271 = tpu.memref_squeeze %dma_wait3A_270 : memref<1x128xf32, #tpu.memory_space<vmem>> -> memref<128xf32, #tpu.memory_space<vmem>>
    %dma_wait3A_272 = arith.constant 0 : i32
    %dma_wait3A_273 = tpu.memref_slice %arg7[%dma_wait3A_266, %dma_wait3A_267, %dma_wait3A_272] : memref<4x4x128xi32, #tpu.memory_space<vmem>> -> memref<1x1x128xi32, #tpu.memory_space<vmem>>
    %dma_wait3A_274 = tpu.memref_squeeze %dma_wait3A_273 : memref<1x1x128xi32, #tpu.memory_space<vmem>> -> memref<128xi32, #tpu.memory_space<vmem>>
    %dma_wait3A_275 = arith.constant 0 : i32
    %dma_wait3A_276 = tpu.memref_slice %arg4[%dma_wait3A_275] : memref<1048576xf32, #tpu.memory_space<hbm>> -> memref<1048576xf32, #tpu.memory_space<hbm>>
    tpu.wait_indirect_dma semaphore(%arg12 : memref<!tpu.dma_semaphore, #tpu.memory_space<semaphore_mem>>) src(%dma_wait3A_276 : memref<1048576xf32, #tpu.memory_space<hbm>>) dst(%dma_wait3A_271 : memref<128xf32, #tpu.memory_space<vmem>>)
    %broadcast_in_dim3A = arith.constant 0.000000e+00 : f32
    %broadcast_in_dim3A_277 = vector.broadcast %broadcast_in_dim3A : f32 to vector<16xf32>
    %get3A = arith.constant 0 : i32
    %get3A_278 = arith.index_cast %get3A : i32 to index
    %get3A_279 = arith.constant 0 : index
    %get3A_280 = tpu.vector_load %arg8[%get3A_278, %get3A_279] {strides = array<i32>} : memref<4x128xf32, #tpu.memory_space<vmem>>, vector<16xf32>,
    %get3A_281 = arith.constant 0 : i32
    %get3A_282 = arith.index_cast %get3A_281 : i32 to index
    %get3A_283 = arith.constant 0 : index
    %get3A_284 = tpu.vector_load %arg9[%get3A_282, %get3A_283] {strides = array<i32>} : memref<4x128xf32, #tpu.memory_space<vmem>>, vector<16xf32>,
    %add3A_285 = arith.addf %get3A_280, %get3A_284 : vector<16xf32>
    %get3A_286 = arith.constant 0 : i32
    %get3A_287 = arith.index_cast %get3A_286 : i32 to index
    %get3A_288 = arith.constant 0 : index
    %get3A_289 = tpu.vector_load %arg10[%get3A_287, %get3A_288] {strides = array<i32>} : memref<4x128xf32, #tpu.memory_space<vmem>>, vector<16xf32>,
    %add3A_290 = arith.addf %add3A_285, %get3A_289 : vector<16xf32>
    %get3A_291 = arith.constant 3 : i32
    %get3A_292 = arith.constant 0 : i32
    %get3A_293 = arith.index_cast %get3A_291 : i32 to index
    %get3A_294 = arith.index_cast %get3A_292 : i32 to index
    %get3A_295 = arith.constant 0 : index
    %get3A_296 = tpu.vector_load %arg7[%get3A_293, %get3A_294, %get3A_295] {strides = array<i32>} : memref<4x4x128xi32, #tpu.memory_space<vmem>>, vector<16xi32>,
    %bitcast3A = vector.bitcast %get3A_296 : vector<16xi32> to vector<16xf32>
    %sub3A = arith.subf %add3A_290, %bitcast3A : vector<16xf32>
    %mul3A_297 = arith.mulf %sub3A, %sub3A : vector<16xf32>
    %add3A_298 = arith.addf %broadcast_in_dim3A_277, %mul3A_297 : vector<16xf32>
    %get3A_299 = arith.constant 0 : i32
    %get3A_300 = arith.index_cast %get3A_299 : i32 to index
    %get3A_301 = arith.constant 16 : index
    %get3A_302 = tpu.vector_load %arg8[%get3A_300, %get3A_301] {strides = array<i32>} : memref<4x128xf32, #tpu.memory_space<vmem>>, vector<16xf32>,
    %get3A_303 = arith.constant 0 : i32
    %get3A_304 = arith.index_cast %get3A_303 : i32 to index
    %get3A_305 = arith.constant 16 : index
    %get3A_306 = tpu.vector_load %arg9[%get3A_304, %get3A_305] {strides = array<i32>} : memref<4x128xf32, #tpu.memory_space<vmem>>, vector<16xf32>,
    %add3A_307 = arith.addf %get3A_302, %get3A_306 : vector<16xf32>
    %get3A_308 = arith.constant 0 : i32
    %get3A_309 = arith.index_cast %get3A_308 : i32 to index
    %get3A_310 = arith.constant 16 : index
    %get3A_311 = tpu.vector_load %arg10[%get3A_309, %get3A_310] {strides = array<i32>} : memref<4x128xf32, #tpu.memory_space<vmem>>, vector<16xf32>,
    %add3A_312 = arith.addf %add3A_307, %get3A_311 : vector<16xf32>
    %get3A_313 = arith.constant 3 : i32
    %get3A_314 = arith.constant 0 : i32
    %get3A_315 = arith.index_cast %get3A_313 : i32 to index
    %get3A_316 = arith.index_cast %get3A_314 : i32 to index
    %get3A_317 = arith.constant 16 : index
    %get3A_318 = tpu.vector_load %arg7[%get3A_315, %get3A_316, %get3A_317] {strides = array<i32>} : memref<4x4x128xi32, #tpu.memory_space<vmem>>, vector<16xi32>,
    %bitcast3A_319 = vector.bitcast %get3A_318 : vector<16xi32> to vector<16xf32>
    %sub3A_320 = arith.subf %add3A_312, %bitcast3A_319 : vector<16xf32>
    %mul3A_321 = arith.mulf %sub3A_320, %sub3A_320 : vector<16xf32>
    %add3A_322 = arith.addf %add3A_298, %mul3A_321 : vector<16xf32>
    %get3A_323 = arith.constant 0 : i32
    %get3A_324 = arith.index_cast %get3A_323 : i32 to index
    %get3A_325 = arith.constant 32 : index
    %get3A_326 = tpu.vector_load %arg8[%get3A_324, %get3A_325] {strides = array<i32>} : memref<4x128xf32, #tpu.memory_space<vmem>>, vector<16xf32>,
    %get3A_327 = arith.constant 0 : i32
    %get3A_328 = arith.index_cast %get3A_327 : i32 to index
    %get3A_329 = arith.constant 32 : index
    %get3A_330 = tpu.vector_load %arg9[%get3A_328, %get3A_329] {strides = array<i32>} : memref<4x128xf32, #tpu.memory_space<vmem>>, vector<16xf32>,
    %add3A_331 = arith.addf %get3A_326, %get3A_330 : vector<16xf32>
    %get3A_332 = arith.constant 0 : i32
    %get3A_333 = arith.index_cast %get3A_332 : i32 to index
    %get3A_334 = arith.constant 32 : index
    %get3A_335 = tpu.vector_load %arg10[%get3A_333, %get3A_334] {strides = array<i32>} : memref<4x128xf32, #tpu.memory_space<vmem>>, vector<16xf32>,
    %add3A_336 = arith.addf %add3A_331, %get3A_335 : vector<16xf32>
    %get3A_337 = arith.constant 3 : i32
    %get3A_338 = arith.constant 0 : i32
    %get3A_339 = arith.index_cast %get3A_337 : i32 to index
    %get3A_340 = arith.index_cast %get3A_338 : i32 to index
    %get3A_341 = arith.constant 32 : index
    %get3A_342 = tpu.vector_load %arg7[%get3A_339, %get3A_340, %get3A_341] {strides = array<i32>} : memref<4x4x128xi32, #tpu.memory_space<vmem>>, vector<16xi32>,
    %bitcast3A_343 = vector.bitcast %get3A_342 : vector<16xi32> to vector<16xf32>
    %sub3A_344 = arith.subf %add3A_336, %bitcast3A_343 : vector<16xf32>
    %mul3A_345 = arith.mulf %sub3A_344, %sub3A_344 : vector<16xf32>
    %add3A_346 = arith.addf %add3A_322, %mul3A_345 : vector<16xf32>
    %get3A_347 = arith.constant 0 : i32
    %get3A_348 = arith.index_cast %get3A_347 : i32 to index
    %get3A_349 = arith.constant 48 : index
    %get3A_350 = tpu.vector_load %arg8[%get3A_348, %get3A_349] {strides = array<i32>} : memref<4x128xf32, #tpu.memory_space<vmem>>, vector<16xf32>,
    %get3A_351 = arith.constant 0 : i32
    %get3A_352 = arith.index_cast %get3A_351 : i32 to index
    %get3A_353 = arith.constant 48 : index
    %get3A_354 = tpu.vector_load %arg9[%get3A_352, %get3A_353] {strides = array<i32>} : memref<4x128xf32, #tpu.memory_space<vmem>>, vector<16xf32>,
    %add3A_355 = arith.addf %get3A_350, %get3A_354 : vector<16xf32>
    %get3A_356 = arith.constant 0 : i32
    %get3A_357 = arith.index_cast %get3A_356 : i32 to index
    %get3A_358 = arith.constant 48 : index
    %get3A_359 = tpu.vector_load %arg10[%get3A_357, %get3A_358] {strides = array<i32>} : memref<4x128xf32, #tpu.memory_space<vmem>>, vector<16xf32>,
    %add3A_360 = arith.addf %add3A_355, %get3A_359 : vector<16xf32>
    %get3A_361 = arith.constant 3 : i32
    %get3A_362 = arith.constant 0 : i32
    %get3A_363 = arith.index_cast %get3A_361 : i32 to index
    %get3A_364 = arith.index_cast %get3A_362 : i32 to index
    %get3A_365 = arith.constant 48 : index
    %get3A_366 = tpu.vector_load %arg7[%get3A_363, %get3A_364, %get3A_365] {strides = array<i32>} : memref<4x4x128xi32, #tpu.memory_space<vmem>>, vector<16xi32>,
    %bitcast3A_367 = vector.bitcast %get3A_366 : vector<16xi32> to vector<16xf32>
    %sub3A_368 = arith.subf %add3A_360, %bitcast3A_367 : vector<16xf32>
    %mul3A_369 = arith.mulf %sub3A_368, %sub3A_368 : vector<16xf32>
    %add3A_370 = arith.addf %add3A_346, %mul3A_369 : vector<16xf32>
    %get3A_371 = arith.constant 0 : i32
    %get3A_372 = arith.index_cast %get3A_371 : i32 to index
    %get3A_373 = arith.constant 64 : index
    %get3A_374 = tpu.vector_load %arg8[%get3A_372, %get3A_373] {strides = array<i32>} : memref<4x128xf32, #tpu.memory_space<vmem>>, vector<16xf32>,
    %get3A_375 = arith.constant 0 : i32
    %get3A_376 = arith.index_cast %get3A_375 : i32 to index
    %get3A_377 = arith.constant 64 : index
    %get3A_378 = tpu.vector_load %arg9[%get3A_376, %get3A_377] {strides = array<i32>} : memref<4x128xf32, #tpu.memory_space<vmem>>, vector<16xf32>,
    %add3A_379 = arith.addf %get3A_374, %get3A_378 : vector<16xf32>
    %get3A_380 = arith.constant 0 : i32
    %get3A_381 = arith.index_cast %get3A_380 : i32 to index
    %get3A_382 = arith.constant 64 : index
    %get3A_383 = tpu.vector_load %arg10[%get3A_381, %get3A_382] {strides = array<i32>} : memref<4x128xf32, #tpu.memory_space<vmem>>, vector<16xf32>,
    %add3A_384 = arith.addf %add3A_379, %get3A_383 : vector<16xf32>
    %get3A_385 = arith.constant 3 : i32
    %get3A_386 = arith.constant 0 : i32
    %get3A_387 = arith.index_cast %get3A_385 : i32 to index
    %get3A_388 = arith.index_cast %get3A_386 : i32 to index
    %get3A_389 = arith.constant 64 : index
    %get3A_390 = tpu.vector_load %arg7[%get3A_387, %get3A_388, %get3A_389] {strides = array<i32>} : memref<4x4x128xi32, #tpu.memory_space<vmem>>, vector<16xi32>,
    %bitcast3A_391 = vector.bitcast %get3A_390 : vector<16xi32> to vector<16xf32>
    %sub3A_392 = arith.subf %add3A_384, %bitcast3A_391 : vector<16xf32>
    %mul3A_393 = arith.mulf %sub3A_392, %sub3A_392 : vector<16xf32>
    %add3A_394 = arith.addf %add3A_370, %mul3A_393 : vector<16xf32>
    %get3A_395 = arith.constant 0 : i32
    %get3A_396 = arith.index_cast %get3A_395 : i32 to index
    %get3A_397 = arith.constant 80 : index
    %get3A_398 = tpu.vector_load %arg8[%get3A_396, %get3A_397] {strides = array<i32>} : memref<4x128xf32, #tpu.memory_space<vmem>>, vector<16xf32>,
    %get3A_399 = arith.constant 0 : i32
    %get3A_400 = arith.index_cast %get3A_399 : i32 to index
    %get3A_401 = arith.constant 80 : index
    %get3A_402 = tpu.vector_load %arg9[%get3A_400, %get3A_401] {strides = array<i32>} : memref<4x128xf32, #tpu.memory_space<vmem>>, vector<16xf32>,
    %add3A_403 = arith.addf %get3A_398, %get3A_402 : vector<16xf32>
    %get3A_404 = arith.constant 0 : i32
    %get3A_405 = arith.index_cast %get3A_404 : i32 to index
    %get3A_406 = arith.constant 80 : index
    %get3A_407 = tpu.vector_load %arg10[%get3A_405, %get3A_406] {strides = array<i32>} : memref<4x128xf32, #tpu.memory_space<vmem>>, vector<16xf32>,
    %add3A_408 = arith.addf %add3A_403, %get3A_407 : vector<16xf32>
    %get3A_409 = arith.constant 3 : i32
    %get3A_410 = arith.constant 0 : i32
    %get3A_411 = arith.index_cast %get3A_409 : i32 to index
    %get3A_412 = arith.index_cast %get3A_410 : i32 to index
    %get3A_413 = arith.constant 80 : index
    %get3A_414 = tpu.vector_load %arg7[%get3A_411, %get3A_412, %get3A_413] {strides = array<i32>} : memref<4x4x128xi32, #tpu.memory_space<vmem>>, vector<16xi32>,
    %bitcast3A_415 = vector.bitcast %get3A_414 : vector<16xi32> to vector<16xf32>
    %sub3A_416 = arith.subf %add3A_408, %bitcast3A_415 : vector<16xf32>
    %mul3A_417 = arith.mulf %sub3A_416, %sub3A_416 : vector<16xf32>
    %add3A_418 = arith.addf %add3A_394, %mul3A_417 : vector<16xf32>
    %get3A_419 = arith.constant 0 : i32
    %get3A_420 = arith.index_cast %get3A_419 : i32 to index
    %get3A_421 = arith.constant 96 : index
    %get3A_422 = tpu.vector_load %arg8[%get3A_420, %get3A_421] {strides = array<i32>} : memref<4x128xf32, #tpu.memory_space<vmem>>, vector<16xf32>,
    %get3A_423 = arith.constant 0 : i32
    %get3A_424 = arith.index_cast %get3A_423 : i32 to index
    %get3A_425 = arith.constant 96 : index
    %get3A_426 = tpu.vector_load %arg9[%get3A_424, %get3A_425] {strides = array<i32>} : memref<4x128xf32, #tpu.memory_space<vmem>>, vector<16xf32>,
    %add3A_427 = arith.addf %get3A_422, %get3A_426 : vector<16xf32>
    %get3A_428 = arith.constant 0 : i32
    %get3A_429 = arith.index_cast %get3A_428 : i32 to index
    %get3A_430 = arith.constant 96 : index
    %get3A_431 = tpu.vector_load %arg10[%get3A_429, %get3A_430] {strides = array<i32>} : memref<4x128xf32, #tpu.memory_space<vmem>>, vector<16xf32>,
    %add3A_432 = arith.addf %add3A_427, %get3A_431 : vector<16xf32>
    %get3A_433 = arith.constant 3 : i32
    %get3A_434 = arith.constant 0 : i32
    %get3A_435 = arith.index_cast %get3A_433 : i32 to index
    %get3A_436 = arith.index_cast %get3A_434 : i32 to index
    %get3A_437 = arith.constant 96 : index
    %get3A_438 = tpu.vector_load %arg7[%get3A_435, %get3A_436, %get3A_437] {strides = array<i32>} : memref<4x4x128xi32, #tpu.memory_space<vmem>>, vector<16xi32>,
    %bitcast3A_439 = vector.bitcast %get3A_438 : vector<16xi32> to vector<16xf32>
    %sub3A_440 = arith.subf %add3A_432, %bitcast3A_439 : vector<16xf32>
    %mul3A_441 = arith.mulf %sub3A_440, %sub3A_440 : vector<16xf32>
    %add3A_442 = arith.addf %add3A_418, %mul3A_441 : vector<16xf32>
    %get3A_443 = arith.constant 0 : i32
    %get3A_444 = arith.index_cast %get3A_443 : i32 to index
    %get3A_445 = arith.constant 112 : index
    %get3A_446 = tpu.vector_load %arg8[%get3A_444, %get3A_445] {strides = array<i32>} : memref<4x128xf32, #tpu.memory_space<vmem>>, vector<16xf32>,
    %get3A_447 = arith.constant 0 : i32
    %get3A_448 = arith.index_cast %get3A_447 : i32 to index
    %get3A_449 = arith.constant 112 : index
    %get3A_450 = tpu.vector_load %arg9[%get3A_448, %get3A_449] {strides = array<i32>} : memref<4x128xf32, #tpu.memory_space<vmem>>, vector<16xf32>,
    %add3A_451 = arith.addf %get3A_446, %get3A_450 : vector<16xf32>
    %get3A_452 = arith.constant 0 : i32
    %get3A_453 = arith.index_cast %get3A_452 : i32 to index
    %get3A_454 = arith.constant 112 : index
    %get3A_455 = tpu.vector_load %arg10[%get3A_453, %get3A_454] {strides = array<i32>} : memref<4x128xf32, #tpu.memory_space<vmem>>, vector<16xf32>,
    %add3A_456 = arith.addf %add3A_451, %get3A_455 : vector<16xf32>
    %get3A_457 = arith.constant 3 : i32
    %get3A_458 = arith.constant 0 : i32
    %get3A_459 = arith.index_cast %get3A_457 : i32 to index
    %get3A_460 = arith.index_cast %get3A_458 : i32 to index
    %get3A_461 = arith.constant 112 : index
    %get3A_462 = tpu.vector_load %arg7[%get3A_459, %get3A_460, %get3A_461] {strides = array<i32>} : memref<4x4x128xi32, #tpu.memory_space<vmem>>, vector<16xi32>,
    %bitcast3A_463 = vector.bitcast %get3A_462 : vector<16xi32> to vector<16xf32>
    %sub3A_464 = arith.subf %add3A_456, %bitcast3A_463 : vector<16xf32>
    %mul3A_465 = arith.mulf %sub3A_464, %sub3A_464 : vector<16xf32>
    %add3A_466 = arith.addf %add3A_442, %mul3A_465 : vector<16xf32>
    %get3A_467 = arith.constant 1 : i32
    %get3A_468 = arith.index_cast %get3A_467 : i32 to index
    %get3A_469 = arith.constant 0 : index
    %get3A_470 = tpu.vector_load %arg8[%get3A_468, %get3A_469] {strides = array<i32>} : memref<4x128xf32, #tpu.memory_space<vmem>>, vector<16xf32>,
    %get3A_471 = arith.constant 1 : i32
    %get3A_472 = arith.index_cast %get3A_471 : i32 to index
    %get3A_473 = arith.constant 0 : index
    %get3A_474 = tpu.vector_load %arg9[%get3A_472, %get3A_473] {strides = array<i32>} : memref<4x128xf32, #tpu.memory_space<vmem>>, vector<16xf32>,
    %add3A_475 = arith.addf %get3A_470, %get3A_474 : vector<16xf32>
    %get3A_476 = arith.constant 1 : i32
    %get3A_477 = arith.index_cast %get3A_476 : i32 to index
    %get3A_478 = arith.constant 0 : index
    %get3A_479 = tpu.vector_load %arg10[%get3A_477, %get3A_478] {strides = array<i32>} : memref<4x128xf32, #tpu.memory_space<vmem>>, vector<16xf32>,
    %add3A_480 = arith.addf %add3A_475, %get3A_479 : vector<16xf32>
    %get3A_481 = arith.constant 3 : i32
    %get3A_482 = arith.constant 1 : i32
    %get3A_483 = arith.index_cast %get3A_481 : i32 to index
    %get3A_484 = arith.index_cast %get3A_482 : i32 to index
    %get3A_485 = arith.constant 0 : index
    %get3A_486 = tpu.vector_load %arg7[%get3A_483, %get3A_484, %get3A_485] {strides = array<i32>} : memref<4x4x128xi32, #tpu.memory_space<vmem>>, vector<16xi32>,
    %bitcast3A_487 = vector.bitcast %get3A_486 : vector<16xi32> to vector<16xf32>
    %sub3A_488 = arith.subf %add3A_480, %bitcast3A_487 : vector<16xf32>
    %mul3A_489 = arith.mulf %sub3A_488, %sub3A_488 : vector<16xf32>
    %add3A_490 = arith.addf %add3A_466, %mul3A_489 : vector<16xf32>
    %get3A_491 = arith.constant 1 : i32
    %get3A_492 = arith.index_cast %get3A_491 : i32 to index
    %get3A_493 = arith.constant 16 : index
    %get3A_494 = tpu.vector_load %arg8[%get3A_492, %get3A_493] {strides = array<i32>} : memref<4x128xf32, #tpu.memory_space<vmem>>, vector<16xf32>,
    %get3A_495 = arith.constant 1 : i32
    %get3A_496 = arith.index_cast %get3A_495 : i32 to index
    %get3A_497 = arith.constant 16 : index
    %get3A_498 = tpu.vector_load %arg9[%get3A_496, %get3A_497] {strides = array<i32>} : memref<4x128xf32, #tpu.memory_space<vmem>>, vector<16xf32>,
    %add3A_499 = arith.addf %get3A_494, %get3A_498 : vector<16xf32>
    %get3A_500 = arith.constant 1 : i32
    %get3A_501 = arith.index_cast %get3A_500 : i32 to index
    %get3A_502 = arith.constant 16 : index
    %get3A_503 = tpu.vector_load %arg10[%get3A_501, %get3A_502] {strides = array<i32>} : memref<4x128xf32, #tpu.memory_space<vmem>>, vector<16xf32>,
    %add3A_504 = arith.addf %add3A_499, %get3A_503 : vector<16xf32>
    %get3A_505 = arith.constant 3 : i32
    %get3A_506 = arith.constant 1 : i32
    %get3A_507 = arith.index_cast %get3A_505 : i32 to index
    %get3A_508 = arith.index_cast %get3A_506 : i32 to index
    %get3A_509 = arith.constant 16 : index
    %get3A_510 = tpu.vector_load %arg7[%get3A_507, %get3A_508, %get3A_509] {strides = array<i32>} : memref<4x4x128xi32, #tpu.memory_space<vmem>>, vector<16xi32>,
    %bitcast3A_511 = vector.bitcast %get3A_510 : vector<16xi32> to vector<16xf32>
    %sub3A_512 = arith.subf %add3A_504, %bitcast3A_511 : vector<16xf32>
    %mul3A_513 = arith.mulf %sub3A_512, %sub3A_512 : vector<16xf32>
    %add3A_514 = arith.addf %add3A_490, %mul3A_513 : vector<16xf32>
    %get3A_515 = arith.constant 1 : i32
    %get3A_516 = arith.index_cast %get3A_515 : i32 to index
    %get3A_517 = arith.constant 32 : index
    %get3A_518 = tpu.vector_load %arg8[%get3A_516, %get3A_517] {strides = array<i32>} : memref<4x128xf32, #tpu.memory_space<vmem>>, vector<16xf32>,
    %get3A_519 = arith.constant 1 : i32
    %get3A_520 = arith.index_cast %get3A_519 : i32 to index
    %get3A_521 = arith.constant 32 : index
    %get3A_522 = tpu.vector_load %arg9[%get3A_520, %get3A_521] {strides = array<i32>} : memref<4x128xf32, #tpu.memory_space<vmem>>, vector<16xf32>,
    %add3A_523 = arith.addf %get3A_518, %get3A_522 : vector<16xf32>
    %get3A_524 = arith.constant 1 : i32
    %get3A_525 = arith.index_cast %get3A_524 : i32 to index
    %get3A_526 = arith.constant 32 : index
    %get3A_527 = tpu.vector_load %arg10[%get3A_525, %get3A_526] {strides = array<i32>} : memref<4x128xf32, #tpu.memory_space<vmem>>, vector<16xf32>,
    %add3A_528 = arith.addf %add3A_523, %get3A_527 : vector<16xf32>
    %get3A_529 = arith.constant 3 : i32
    %get3A_530 = arith.constant 1 : i32
    %get3A_531 = arith.index_cast %get3A_529 : i32 to index
    %get3A_532 = arith.index_cast %get3A_530 : i32 to index
    %get3A_533 = arith.constant 32 : index
    %get3A_534 = tpu.vector_load %arg7[%get3A_531, %get3A_532, %get3A_533] {strides = array<i32>} : memref<4x4x128xi32, #tpu.memory_space<vmem>>, vector<16xi32>,
    %bitcast3A_535 = vector.bitcast %get3A_534 : vector<16xi32> to vector<16xf32>
    %sub3A_536 = arith.subf %add3A_528, %bitcast3A_535 : vector<16xf32>
    %mul3A_537 = arith.mulf %sub3A_536, %sub3A_536 : vector<16xf32>
    %add3A_538 = arith.addf %add3A_514, %mul3A_537 : vector<16xf32>
    %get3A_539 = arith.constant 1 : i32
    %get3A_540 = arith.index_cast %get3A_539 : i32 to index
    %get3A_541 = arith.constant 48 : index
    %get3A_542 = tpu.vector_load %arg8[%get3A_540, %get3A_541] {strides = array<i32>} : memref<4x128xf32, #tpu.memory_space<vmem>>, vector<16xf32>,
    %get3A_543 = arith.constant 1 : i32
    %get3A_544 = arith.index_cast %get3A_543 : i32 to index
    %get3A_545 = arith.constant 48 : index
    %get3A_546 = tpu.vector_load %arg9[%get3A_544, %get3A_545] {strides = array<i32>} : memref<4x128xf32, #tpu.memory_space<vmem>>, vector<16xf32>,
    %add3A_547 = arith.addf %get3A_542, %get3A_546 : vector<16xf32>
    %get3A_548 = arith.constant 1 : i32
    %get3A_549 = arith.index_cast %get3A_548 : i32 to index
    %get3A_550 = arith.constant 48 : index
    %get3A_551 = tpu.vector_load %arg10[%get3A_549, %get3A_550] {strides = array<i32>} : memref<4x128xf32, #tpu.memory_space<vmem>>, vector<16xf32>,
    %add3A_552 = arith.addf %add3A_547, %get3A_551 : vector<16xf32>
    %get3A_553 = arith.constant 3 : i32
    %get3A_554 = arith.constant 1 : i32
    %get3A_555 = arith.index_cast %get3A_553 : i32 to index
    %get3A_556 = arith.index_cast %get3A_554 : i32 to index
    %get3A_557 = arith.constant 48 : index
    %get3A_558 = tpu.vector_load %arg7[%get3A_555, %get3A_556, %get3A_557] {strides = array<i32>} : memref<4x4x128xi32, #tpu.memory_space<vmem>>, vector<16xi32>,
    %bitcast3A_559 = vector.bitcast %get3A_558 : vector<16xi32> to vector<16xf32>
    %sub3A_560 = arith.subf %add3A_552, %bitcast3A_559 : vector<16xf32>
    %mul3A_561 = arith.mulf %sub3A_560, %sub3A_560 : vector<16xf32>
    %add3A_562 = arith.addf %add3A_538, %mul3A_561 : vector<16xf32>
    %get3A_563 = arith.constant 1 : i32
    %get3A_564 = arith.index_cast %get3A_563 : i32 to index
    %get3A_565 = arith.constant 64 : index
    %get3A_566 = tpu.vector_load %arg8[%get3A_564, %get3A_565] {strides = array<i32>} : memref<4x128xf32, #tpu.memory_space<vmem>>, vector<16xf32>,
    %get3A_567 = arith.constant 1 : i32
    %get3A_568 = arith.index_cast %get3A_567 : i32 to index
    %get3A_569 = arith.constant 64 : index
    %get3A_570 = tpu.vector_load %arg9[%get3A_568, %get3A_569] {strides = array<i32>} : memref<4x128xf32, #tpu.memory_space<vmem>>, vector<16xf32>,
    %add3A_571 = arith.addf %get3A_566, %get3A_570 : vector<16xf32>
    %get3A_572 = arith.constant 1 : i32
    %get3A_573 = arith.index_cast %get3A_572 : i32 to index
    %get3A_574 = arith.constant 64 : index
    %get3A_575 = tpu.vector_load %arg10[%get3A_573, %get3A_574] {strides = array<i32>} : memref<4x128xf32, #tpu.memory_space<vmem>>, vector<16xf32>,
    %add3A_576 = arith.addf %add3A_571, %get3A_575 : vector<16xf32>
    %get3A_577 = arith.constant 3 : i32
    %get3A_578 = arith.constant 1 : i32
    %get3A_579 = arith.index_cast %get3A_577 : i32 to index
    %get3A_580 = arith.index_cast %get3A_578 : i32 to index
    %get3A_581 = arith.constant 64 : index
    %get3A_582 = tpu.vector_load %arg7[%get3A_579, %get3A_580, %get3A_581] {strides = array<i32>} : memref<4x4x128xi32, #tpu.memory_space<vmem>>, vector<16xi32>,
    %bitcast3A_583 = vector.bitcast %get3A_582 : vector<16xi32> to vector<16xf32>
    %sub3A_584 = arith.subf %add3A_576, %bitcast3A_583 : vector<16xf32>
    %mul3A_585 = arith.mulf %sub3A_584, %sub3A_584 : vector<16xf32>
    %add3A_586 = arith.addf %add3A_562, %mul3A_585 : vector<16xf32>
    %get3A_587 = arith.constant 1 : i32
    %get3A_588 = arith.index_cast %get3A_587 : i32 to index
    %get3A_589 = arith.constant 80 : index
    %get3A_590 = tpu.vector_load %arg8[%get3A_588, %get3A_589] {strides = array<i32>} : memref<4x128xf32, #tpu.memory_space<vmem>>, vector<16xf32>,
    %get3A_591 = arith.constant 1 : i32
    %get3A_592 = arith.index_cast %get3A_591 : i32 to index
    %get3A_593 = arith.constant 80 : index
    %get3A_594 = tpu.vector_load %arg9[%get3A_592, %get3A_593] {strides = array<i32>} : memref<4x128xf32, #tpu.memory_space<vmem>>, vector<16xf32>,
    %add3A_595 = arith.addf %get3A_590, %get3A_594 : vector<16xf32>
    %get3A_596 = arith.constant 1 : i32
    %get3A_597 = arith.index_cast %get3A_596 : i32 to index
    %get3A_598 = arith.constant 80 : index
    %get3A_599 = tpu.vector_load %arg10[%get3A_597, %get3A_598] {strides = array<i32>} : memref<4x128xf32, #tpu.memory_space<vmem>>, vector<16xf32>,
    %add3A_600 = arith.addf %add3A_595, %get3A_599 : vector<16xf32>
    %get3A_601 = arith.constant 3 : i32
    %get3A_602 = arith.constant 1 : i32
    %get3A_603 = arith.index_cast %get3A_601 : i32 to index
    %get3A_604 = arith.index_cast %get3A_602 : i32 to index
    %get3A_605 = arith.constant 80 : index
    %get3A_606 = tpu.vector_load %arg7[%get3A_603, %get3A_604, %get3A_605] {strides = array<i32>} : memref<4x4x128xi32, #tpu.memory_space<vmem>>, vector<16xi32>,
    %bitcast3A_607 = vector.bitcast %get3A_606 : vector<16xi32> to vector<16xf32>
    %sub3A_608 = arith.subf %add3A_600, %bitcast3A_607 : vector<16xf32>
    %mul3A_609 = arith.mulf %sub3A_608, %sub3A_608 : vector<16xf32>
    %add3A_610 = arith.addf %add3A_586, %mul3A_609 : vector<16xf32>
    %get3A_611 = arith.constant 1 : i32
    %get3A_612 = arith.index_cast %get3A_611 : i32 to index
    %get3A_613 = arith.constant 96 : index
    %get3A_614 = tpu.vector_load %arg8[%get3A_612, %get3A_613] {strides = array<i32>} : memref<4x128xf32, #tpu.memory_space<vmem>>, vector<16xf32>,
    %get3A_615 = arith.constant 1 : i32
    %get3A_616 = arith.index_cast %get3A_615 : i32 to index
    %get3A_617 = arith.constant 96 : index
    %get3A_618 = tpu.vector_load %arg9[%get3A_616, %get3A_617] {strides = array<i32>} : memref<4x128xf32, #tpu.memory_space<vmem>>, vector<16xf32>,
    %add3A_619 = arith.addf %get3A_614, %get3A_618 : vector<16xf32>
    %get3A_620 = arith.constant 1 : i32
    %get3A_621 = arith.index_cast %get3A_620 : i32 to index
    %get3A_622 = arith.constant 96 : index
    %get3A_623 = tpu.vector_load %arg10[%get3A_621, %get3A_622] {strides = array<i32>} : memref<4x128xf32, #tpu.memory_space<vmem>>, vector<16xf32>,
    %add3A_624 = arith.addf %add3A_619, %get3A_623 : vector<16xf32>
    %get3A_625 = arith.constant 3 : i32
    %get3A_626 = arith.constant 1 : i32
    %get3A_627 = arith.index_cast %get3A_625 : i32 to index
    %get3A_628 = arith.index_cast %get3A_626 : i32 to index
    %get3A_629 = arith.constant 96 : index
    %get3A_630 = tpu.vector_load %arg7[%get3A_627, %get3A_628, %get3A_629] {strides = array<i32>} : memref<4x4x128xi32, #tpu.memory_space<vmem>>, vector<16xi32>,
    %bitcast3A_631 = vector.bitcast %get3A_630 : vector<16xi32> to vector<16xf32>
    %sub3A_632 = arith.subf %add3A_624, %bitcast3A_631 : vector<16xf32>
    %mul3A_633 = arith.mulf %sub3A_632, %sub3A_632 : vector<16xf32>
    %add3A_634 = arith.addf %add3A_610, %mul3A_633 : vector<16xf32>
    %get3A_635 = arith.constant 1 : i32
    %get3A_636 = arith.index_cast %get3A_635 : i32 to index
    %get3A_637 = arith.constant 112 : index
    %get3A_638 = tpu.vector_load %arg8[%get3A_636, %get3A_637] {strides = array<i32>} : memref<4x128xf32, #tpu.memory_space<vmem>>, vector<16xf32>,
    %get3A_639 = arith.constant 1 : i32
    %get3A_640 = arith.index_cast %get3A_639 : i32 to index
    %get3A_641 = arith.constant 112 : index
    %get3A_642 = tpu.vector_load %arg9[%get3A_640, %get3A_641] {strides = array<i32>} : memref<4x128xf32, #tpu.memory_space<vmem>>, vector<16xf32>,
    %add3A_643 = arith.addf %get3A_638, %get3A_642 : vector<16xf32>
    %get3A_644 = arith.constant 1 : i32
    %get3A_645 = arith.index_cast %get3A_644 : i32 to index
    %get3A_646 = arith.constant 112 : index
    %get3A_647 = tpu.vector_load %arg10[%get3A_645, %get3A_646] {strides = array<i32>} : memref<4x128xf32, #tpu.memory_space<vmem>>, vector<16xf32>,
    %add3A_648 = arith.addf %add3A_643, %get3A_647 : vector<16xf32>
    %get3A_649 = arith.constant 3 : i32
    %get3A_650 = arith.constant 1 : i32
    %get3A_651 = arith.index_cast %get3A_649 : i32 to index
    %get3A_652 = arith.index_cast %get3A_650 : i32 to index
    %get3A_653 = arith.constant 112 : index
    %get3A_654 = tpu.vector_load %arg7[%get3A_651, %get3A_652, %get3A_653] {strides = array<i32>} : memref<4x4x128xi32, #tpu.memory_space<vmem>>, vector<16xi32>,
    %bitcast3A_655 = vector.bitcast %get3A_654 : vector<16xi32> to vector<16xf32>
    %sub3A_656 = arith.subf %add3A_648, %bitcast3A_655 : vector<16xf32>
    %mul3A_657 = arith.mulf %sub3A_656, %sub3A_656 : vector<16xf32>
    %add3A_658 = arith.addf %add3A_634, %mul3A_657 : vector<16xf32>
    %get3A_659 = arith.constant 2 : i32
    %get3A_660 = arith.index_cast %get3A_659 : i32 to index
    %get3A_661 = arith.constant 0 : index
    %get3A_662 = tpu.vector_load %arg8[%get3A_660, %get3A_661] {strides = array<i32>} : memref<4x128xf32, #tpu.memory_space<vmem>>, vector<16xf32>,
    %get3A_663 = arith.constant 2 : i32
    %get3A_664 = arith.index_cast %get3A_663 : i32 to index
    %get3A_665 = arith.constant 0 : index
    %get3A_666 = tpu.vector_load %arg9[%get3A_664, %get3A_665] {strides = array<i32>} : memref<4x128xf32, #tpu.memory_space<vmem>>, vector<16xf32>,
    %add3A_667 = arith.addf %get3A_662, %get3A_666 : vector<16xf32>
    %get3A_668 = arith.constant 2 : i32
    %get3A_669 = arith.index_cast %get3A_668 : i32 to index
    %get3A_670 = arith.constant 0 : index
    %get3A_671 = tpu.vector_load %arg10[%get3A_669, %get3A_670] {strides = array<i32>} : memref<4x128xf32, #tpu.memory_space<vmem>>, vector<16xf32>,
    %add3A_672 = arith.addf %add3A_667, %get3A_671 : vector<16xf32>
    %get3A_673 = arith.constant 3 : i32
    %get3A_674 = arith.constant 2 : i32
    %get3A_675 = arith.index_cast %get3A_673 : i32 to index
    %get3A_676 = arith.index_cast %get3A_674 : i32 to index
    %get3A_677 = arith.constant 0 : index
    %get3A_678 = tpu.vector_load %arg7[%get3A_675, %get3A_676, %get3A_677] {strides = array<i32>} : memref<4x4x128xi32, #tpu.memory_space<vmem>>, vector<16xi32>,
    %bitcast3A_679 = vector.bitcast %get3A_678 : vector<16xi32> to vector<16xf32>
    %sub3A_680 = arith.subf %add3A_672, %bitcast3A_679 : vector<16xf32>
    %mul3A_681 = arith.mulf %sub3A_680, %sub3A_680 : vector<16xf32>
    %add3A_682 = arith.addf %add3A_658, %mul3A_681 : vector<16xf32>
    %get3A_683 = arith.constant 2 : i32
    %get3A_684 = arith.index_cast %get3A_683 : i32 to index
    %get3A_685 = arith.constant 16 : index
    %get3A_686 = tpu.vector_load %arg8[%get3A_684, %get3A_685] {strides = array<i32>} : memref<4x128xf32, #tpu.memory_space<vmem>>, vector<16xf32>,
    %get3A_687 = arith.constant 2 : i32
    %get3A_688 = arith.index_cast %get3A_687 : i32 to index
    %get3A_689 = arith.constant 16 : index
    %get3A_690 = tpu.vector_load %arg9[%get3A_688, %get3A_689] {strides = array<i32>} : memref<4x128xf32, #tpu.memory_space<vmem>>, vector<16xf32>,
    %add3A_691 = arith.addf %get3A_686, %get3A_690 : vector<16xf32>
    %get3A_692 = arith.constant 2 : i32
    %get3A_693 = arith.index_cast %get3A_692 : i32 to index
    %get3A_694 = arith.constant 16 : index
    %get3A_695 = tpu.vector_load %arg10[%get3A_693, %get3A_694] {strides = array<i32>} : memref<4x128xf32, #tpu.memory_space<vmem>>, vector<16xf32>,
    %add3A_696 = arith.addf %add3A_691, %get3A_695 : vector<16xf32>
    %get3A_697 = arith.constant 3 : i32
    %get3A_698 = arith.constant 2 : i32
    %get3A_699 = arith.index_cast %get3A_697 : i32 to index
    %get3A_700 = arith.index_cast %get3A_698 : i32 to index
    %get3A_701 = arith.constant 16 : index
    %get3A_702 = tpu.vector_load %arg7[%get3A_699, %get3A_700, %get3A_701] {strides = array<i32>} : memref<4x4x128xi32, #tpu.memory_space<vmem>>, vector<16xi32>,
    %bitcast3A_703 = vector.bitcast %get3A_702 : vector<16xi32> to vector<16xf32>
    %sub3A_704 = arith.subf %add3A_696, %bitcast3A_703 : vector<16xf32>
    %mul3A_705 = arith.mulf %sub3A_704, %sub3A_704 : vector<16xf32>
    %add3A_706 = arith.addf %add3A_682, %mul3A_705 : vector<16xf32>
    %get3A_707 = arith.constant 2 : i32
    %get3A_708 = arith.index_cast %get3A_707 : i32 to index
    %get3A_709 = arith.constant 32 : index
    %get3A_710 = tpu.vector_load %arg8[%get3A_708, %get3A_709] {strides = array<i32>} : memref<4x128xf32, #tpu.memory_space<vmem>>, vector<16xf32>,
    %get3A_711 = arith.constant 2 : i32
    %get3A_712 = arith.index_cast %get3A_711 : i32 to index
    %get3A_713 = arith.constant 32 : index
    %get3A_714 = tpu.vector_load %arg9[%get3A_712, %get3A_713] {strides = array<i32>} : memref<4x128xf32, #tpu.memory_space<vmem>>, vector<16xf32>,
    %add3A_715 = arith.addf %get3A_710, %get3A_714 : vector<16xf32>
    %get3A_716 = arith.constant 2 : i32
    %get3A_717 = arith.index_cast %get3A_716 : i32 to index
    %get3A_718 = arith.constant 32 : index
    %get3A_719 = tpu.vector_load %arg10[%get3A_717, %get3A_718] {strides = array<i32>} : memref<4x128xf32, #tpu.memory_space<vmem>>, vector<16xf32>,
    %add3A_720 = arith.addf %add3A_715, %get3A_719 : vector<16xf32>
    %get3A_721 = arith.constant 3 : i32
    %get3A_722 = arith.constant 2 : i32
    %get3A_723 = arith.index_cast %get3A_721 : i32 to index
    %get3A_724 = arith.index_cast %get3A_722 : i32 to index
    %get3A_725 = arith.constant 32 : index
    %get3A_726 = tpu.vector_load %arg7[%get3A_723, %get3A_724, %get3A_725] {strides = array<i32>} : memref<4x4x128xi32, #tpu.memory_space<vmem>>, vector<16xi32>,
    %bitcast3A_727 = vector.bitcast %get3A_726 : vector<16xi32> to vector<16xf32>
    %sub3A_728 = arith.subf %add3A_720, %bitcast3A_727 : vector<16xf32>
    %mul3A_729 = arith.mulf %sub3A_728, %sub3A_728 : vector<16xf32>
    %add3A_730 = arith.addf %add3A_706, %mul3A_729 : vector<16xf32>
    %get3A_731 = arith.constant 2 : i32
    %get3A_732 = arith.index_cast %get3A_731 : i32 to index
    %get3A_733 = arith.constant 48 : index
    %get3A_734 = tpu.vector_load %arg8[%get3A_732, %get3A_733] {strides = array<i32>} : memref<4x128xf32, #tpu.memory_space<vmem>>, vector<16xf32>,
    %get3A_735 = arith.constant 2 : i32
    %get3A_736 = arith.index_cast %get3A_735 : i32 to index
    %get3A_737 = arith.constant 48 : index
    %get3A_738 = tpu.vector_load %arg9[%get3A_736, %get3A_737] {strides = array<i32>} : memref<4x128xf32, #tpu.memory_space<vmem>>, vector<16xf32>,
    %add3A_739 = arith.addf %get3A_734, %get3A_738 : vector<16xf32>
    %get3A_740 = arith.constant 2 : i32
    %get3A_741 = arith.index_cast %get3A_740 : i32 to index
    %get3A_742 = arith.constant 48 : index
    %get3A_743 = tpu.vector_load %arg10[%get3A_741, %get3A_742] {strides = array<i32>} : memref<4x128xf32, #tpu.memory_space<vmem>>, vector<16xf32>,
    %add3A_744 = arith.addf %add3A_739, %get3A_743 : vector<16xf32>
    %get3A_745 = arith.constant 3 : i32
    %get3A_746 = arith.constant 2 : i32
    %get3A_747 = arith.index_cast %get3A_745 : i32 to index
    %get3A_748 = arith.index_cast %get3A_746 : i32 to index
    %get3A_749 = arith.constant 48 : index
    %get3A_750 = tpu.vector_load %arg7[%get3A_747, %get3A_748, %get3A_749] {strides = array<i32>} : memref<4x4x128xi32, #tpu.memory_space<vmem>>, vector<16xi32>,
    %bitcast3A_751 = vector.bitcast %get3A_750 : vector<16xi32> to vector<16xf32>
    %sub3A_752 = arith.subf %add3A_744, %bitcast3A_751 : vector<16xf32>
    %mul3A_753 = arith.mulf %sub3A_752, %sub3A_752 : vector<16xf32>
    %add3A_754 = arith.addf %add3A_730, %mul3A_753 : vector<16xf32>
    %get3A_755 = arith.constant 2 : i32
    %get3A_756 = arith.index_cast %get3A_755 : i32 to index
    %get3A_757 = arith.constant 64 : index
    %get3A_758 = tpu.vector_load %arg8[%get3A_756, %get3A_757] {strides = array<i32>} : memref<4x128xf32, #tpu.memory_space<vmem>>, vector<16xf32>,
    %get3A_759 = arith.constant 2 : i32
    %get3A_760 = arith.index_cast %get3A_759 : i32 to index
    %get3A_761 = arith.constant 64 : index
    %get3A_762 = tpu.vector_load %arg9[%get3A_760, %get3A_761] {strides = array<i32>} : memref<4x128xf32, #tpu.memory_space<vmem>>, vector<16xf32>,
    %add3A_763 = arith.addf %get3A_758, %get3A_762 : vector<16xf32>
    %get3A_764 = arith.constant 2 : i32
    %get3A_765 = arith.index_cast %get3A_764 : i32 to index
    %get3A_766 = arith.constant 64 : index
    %get3A_767 = tpu.vector_load %arg10[%get3A_765, %get3A_766] {strides = array<i32>} : memref<4x128xf32, #tpu.memory_space<vmem>>, vector<16xf32>,
    %add3A_768 = arith.addf %add3A_763, %get3A_767 : vector<16xf32>
    %get3A_769 = arith.constant 3 : i32
    %get3A_770 = arith.constant 2 : i32
    %get3A_771 = arith.index_cast %get3A_769 : i32 to index
    %get3A_772 = arith.index_cast %get3A_770 : i32 to index
    %get3A_773 = arith.constant 64 : index
    %get3A_774 = tpu.vector_load %arg7[%get3A_771, %get3A_772, %get3A_773] {strides = array<i32>} : memref<4x4x128xi32, #tpu.memory_space<vmem>>, vector<16xi32>,
    %bitcast3A_775 = vector.bitcast %get3A_774 : vector<16xi32> to vector<16xf32>
    %sub3A_776 = arith.subf %add3A_768, %bitcast3A_775 : vector<16xf32>
    %mul3A_777 = arith.mulf %sub3A_776, %sub3A_776 : vector<16xf32>
    %add3A_778 = arith.addf %add3A_754, %mul3A_777 : vector<16xf32>
    %get3A_779 = arith.constant 2 : i32
    %get3A_780 = arith.index_cast %get3A_779 : i32 to index
    %get3A_781 = arith.constant 80 : index
    %get3A_782 = tpu.vector_load %arg8[%get3A_780, %get3A_781] {strides = array<i32>} : memref<4x128xf32, #tpu.memory_space<vmem>>, vector<16xf32>,
    %get3A_783 = arith.constant 2 : i32
    %get3A_784 = arith.index_cast %get3A_783 : i32 to index
    %get3A_785 = arith.constant 80 : index
    %get3A_786 = tpu.vector_load %arg9[%get3A_784, %get3A_785] {strides = array<i32>} : memref<4x128xf32, #tpu.memory_space<vmem>>, vector<16xf32>,
    %add3A_787 = arith.addf %get3A_782, %get3A_786 : vector<16xf32>
    %get3A_788 = arith.constant 2 : i32
    %get3A_789 = arith.index_cast %get3A_788 : i32 to index
    %get3A_790 = arith.constant 80 : index
    %get3A_791 = tpu.vector_load %arg10[%get3A_789, %get3A_790] {strides = array<i32>} : memref<4x128xf32, #tpu.memory_space<vmem>>, vector<16xf32>,
    %add3A_792 = arith.addf %add3A_787, %get3A_791 : vector<16xf32>
    %get3A_793 = arith.constant 3 : i32
    %get3A_794 = arith.constant 2 : i32
    %get3A_795 = arith.index_cast %get3A_793 : i32 to index
    %get3A_796 = arith.index_cast %get3A_794 : i32 to index
    %get3A_797 = arith.constant 80 : index
    %get3A_798 = tpu.vector_load %arg7[%get3A_795, %get3A_796, %get3A_797] {strides = array<i32>} : memref<4x4x128xi32, #tpu.memory_space<vmem>>, vector<16xi32>,
    %bitcast3A_799 = vector.bitcast %get3A_798 : vector<16xi32> to vector<16xf32>
    %sub3A_800 = arith.subf %add3A_792, %bitcast3A_799 : vector<16xf32>
    %mul3A_801 = arith.mulf %sub3A_800, %sub3A_800 : vector<16xf32>
    %add3A_802 = arith.addf %add3A_778, %mul3A_801 : vector<16xf32>
    %get3A_803 = arith.constant 2 : i32
    %get3A_804 = arith.index_cast %get3A_803 : i32 to index
    %get3A_805 = arith.constant 96 : index
    %get3A_806 = tpu.vector_load %arg8[%get3A_804, %get3A_805] {strides = array<i32>} : memref<4x128xf32, #tpu.memory_space<vmem>>, vector<16xf32>,
    %get3A_807 = arith.constant 2 : i32
    %get3A_808 = arith.index_cast %get3A_807 : i32 to index
    %get3A_809 = arith.constant 96 : index
    %get3A_810 = tpu.vector_load %arg9[%get3A_808, %get3A_809] {strides = array<i32>} : memref<4x128xf32, #tpu.memory_space<vmem>>, vector<16xf32>,
    %add3A_811 = arith.addf %get3A_806, %get3A_810 : vector<16xf32>
    %get3A_812 = arith.constant 2 : i32
    %get3A_813 = arith.index_cast %get3A_812 : i32 to index
    %get3A_814 = arith.constant 96 : index
    %get3A_815 = tpu.vector_load %arg10[%get3A_813, %get3A_814] {strides = array<i32>} : memref<4x128xf32, #tpu.memory_space<vmem>>, vector<16xf32>,
    %add3A_816 = arith.addf %add3A_811, %get3A_815 : vector<16xf32>
    %get3A_817 = arith.constant 3 : i32
    %get3A_818 = arith.constant 2 : i32
    %get3A_819 = arith.index_cast %get3A_817 : i32 to index
    %get3A_820 = arith.index_cast %get3A_818 : i32 to index
    %get3A_821 = arith.constant 96 : index
    %get3A_822 = tpu.vector_load %arg7[%get3A_819, %get3A_820, %get3A_821] {strides = array<i32>} : memref<4x4x128xi32, #tpu.memory_space<vmem>>, vector<16xi32>,
    %bitcast3A_823 = vector.bitcast %get3A_822 : vector<16xi32> to vector<16xf32>
    %sub3A_824 = arith.subf %add3A_816, %bitcast3A_823 : vector<16xf32>
    %mul3A_825 = arith.mulf %sub3A_824, %sub3A_824 : vector<16xf32>
    %add3A_826 = arith.addf %add3A_802, %mul3A_825 : vector<16xf32>
    %get3A_827 = arith.constant 2 : i32
    %get3A_828 = arith.index_cast %get3A_827 : i32 to index
    %get3A_829 = arith.constant 112 : index
    %get3A_830 = tpu.vector_load %arg8[%get3A_828, %get3A_829] {strides = array<i32>} : memref<4x128xf32, #tpu.memory_space<vmem>>, vector<16xf32>,
    %get3A_831 = arith.constant 2 : i32
    %get3A_832 = arith.index_cast %get3A_831 : i32 to index
    %get3A_833 = arith.constant 112 : index
    %get3A_834 = tpu.vector_load %arg9[%get3A_832, %get3A_833] {strides = array<i32>} : memref<4x128xf32, #tpu.memory_space<vmem>>, vector<16xf32>,
    %add3A_835 = arith.addf %get3A_830, %get3A_834 : vector<16xf32>
    %get3A_836 = arith.constant 2 : i32
    %get3A_837 = arith.index_cast %get3A_836 : i32 to index
    %get3A_838 = arith.constant 112 : index
    %get3A_839 = tpu.vector_load %arg10[%get3A_837, %get3A_838] {strides = array<i32>} : memref<4x128xf32, #tpu.memory_space<vmem>>, vector<16xf32>,
    %add3A_840 = arith.addf %add3A_835, %get3A_839 : vector<16xf32>
    %get3A_841 = arith.constant 3 : i32
    %get3A_842 = arith.constant 2 : i32
    %get3A_843 = arith.index_cast %get3A_841 : i32 to index
    %get3A_844 = arith.index_cast %get3A_842 : i32 to index
    %get3A_845 = arith.constant 112 : index
    %get3A_846 = tpu.vector_load %arg7[%get3A_843, %get3A_844, %get3A_845] {strides = array<i32>} : memref<4x4x128xi32, #tpu.memory_space<vmem>>, vector<16xi32>,
    %bitcast3A_847 = vector.bitcast %get3A_846 : vector<16xi32> to vector<16xf32>
    %sub3A_848 = arith.subf %add3A_840, %bitcast3A_847 : vector<16xf32>
    %mul3A_849 = arith.mulf %sub3A_848, %sub3A_848 : vector<16xf32>
    %add3A_850 = arith.addf %add3A_826, %mul3A_849 : vector<16xf32>
    %get3A_851 = arith.constant 3 : i32
    %get3A_852 = arith.index_cast %get3A_851 : i32 to index
    %get3A_853 = arith.constant 0 : index
    %get3A_854 = tpu.vector_load %arg8[%get3A_852, %get3A_853] {strides = array<i32>} : memref<4x128xf32, #tpu.memory_space<vmem>>, vector<16xf32>,
    %get3A_855 = arith.constant 3 : i32
    %get3A_856 = arith.index_cast %get3A_855 : i32 to index
    %get3A_857 = arith.constant 0 : index
    %get3A_858 = tpu.vector_load %arg9[%get3A_856, %get3A_857] {strides = array<i32>} : memref<4x128xf32, #tpu.memory_space<vmem>>, vector<16xf32>,
    %add3A_859 = arith.addf %get3A_854, %get3A_858 : vector<16xf32>
    %get3A_860 = arith.constant 3 : i32
    %get3A_861 = arith.index_cast %get3A_860 : i32 to index
    %get3A_862 = arith.constant 0 : index
    %get3A_863 = tpu.vector_load %arg10[%get3A_861, %get3A_862] {strides = array<i32>} : memref<4x128xf32, #tpu.memory_space<vmem>>, vector<16xf32>,
    %add3A_864 = arith.addf %add3A_859, %get3A_863 : vector<16xf32>
    %get3A_865 = arith.constant 3 : i32
    %get3A_866 = arith.constant 3 : i32
    %get3A_867 = arith.index_cast %get3A_865 : i32 to index
    %get3A_868 = arith.index_cast %get3A_866 : i32 to index
    %get3A_869 = arith.constant 0 : index
    %get3A_870 = tpu.vector_load %arg7[%get3A_867, %get3A_868, %get3A_869] {strides = array<i32>} : memref<4x4x128xi32, #tpu.memory_space<vmem>>, vector<16xi32>,
    %bitcast3A_871 = vector.bitcast %get3A_870 : vector<16xi32> to vector<16xf32>
    %sub3A_872 = arith.subf %add3A_864, %bitcast3A_871 : vector<16xf32>
    %mul3A_873 = arith.mulf %sub3A_872, %sub3A_872 : vector<16xf32>
    %add3A_874 = arith.addf %add3A_850, %mul3A_873 : vector<16xf32>
    %get3A_875 = arith.constant 3 : i32
    %get3A_876 = arith.index_cast %get3A_875 : i32 to index
    %get3A_877 = arith.constant 16 : index
    %get3A_878 = tpu.vector_load %arg8[%get3A_876, %get3A_877] {strides = array<i32>} : memref<4x128xf32, #tpu.memory_space<vmem>>, vector<16xf32>,
    %get3A_879 = arith.constant 3 : i32
    %get3A_880 = arith.index_cast %get3A_879 : i32 to index
    %get3A_881 = arith.constant 16 : index
    %get3A_882 = tpu.vector_load %arg9[%get3A_880, %get3A_881] {strides = array<i32>} : memref<4x128xf32, #tpu.memory_space<vmem>>, vector<16xf32>,
    %add3A_883 = arith.addf %get3A_878, %get3A_882 : vector<16xf32>
    %get3A_884 = arith.constant 3 : i32
    %get3A_885 = arith.index_cast %get3A_884 : i32 to index
    %get3A_886 = arith.constant 16 : index
    %get3A_887 = tpu.vector_load %arg10[%get3A_885, %get3A_886] {strides = array<i32>} : memref<4x128xf32, #tpu.memory_space<vmem>>, vector<16xf32>,
    %add3A_888 = arith.addf %add3A_883, %get3A_887 : vector<16xf32>
    %get3A_889 = arith.constant 3 : i32
    %get3A_890 = arith.constant 3 : i32
    %get3A_891 = arith.index_cast %get3A_889 : i32 to index
    %get3A_892 = arith.index_cast %get3A_890 : i32 to index
    %get3A_893 = arith.constant 16 : index
    %get3A_894 = tpu.vector_load %arg7[%get3A_891, %get3A_892, %get3A_893] {strides = array<i32>} : memref<4x4x128xi32, #tpu.memory_space<vmem>>, vector<16xi32>,
    %bitcast3A_895 = vector.bitcast %get3A_894 : vector<16xi32> to vector<16xf32>
    %sub3A_896 = arith.subf %add3A_888, %bitcast3A_895 : vector<16xf32>
    %mul3A_897 = arith.mulf %sub3A_896, %sub3A_896 : vector<16xf32>
    %add3A_898 = arith.addf %add3A_874, %mul3A_897 : vector<16xf32>
    %get3A_899 = arith.constant 3 : i32
    %get3A_900 = arith.index_cast %get3A_899 : i32 to index
    %get3A_901 = arith.constant 32 : index
    %get3A_902 = tpu.vector_load %arg8[%get3A_900, %get3A_901] {strides = array<i32>} : memref<4x128xf32, #tpu.memory_space<vmem>>, vector<16xf32>,
    %get3A_903 = arith.constant 3 : i32
    %get3A_904 = arith.index_cast %get3A_903 : i32 to index
    %get3A_905 = arith.constant 32 : index
    %get3A_906 = tpu.vector_load %arg9[%get3A_904, %get3A_905] {strides = array<i32>} : memref<4x128xf32, #tpu.memory_space<vmem>>, vector<16xf32>,
    %add3A_907 = arith.addf %get3A_902, %get3A_906 : vector<16xf32>
    %get3A_908 = arith.constant 3 : i32
    %get3A_909 = arith.index_cast %get3A_908 : i32 to index
    %get3A_910 = arith.constant 32 : index
    %get3A_911 = tpu.vector_load %arg10[%get3A_909, %get3A_910] {strides = array<i32>} : memref<4x128xf32, #tpu.memory_space<vmem>>, vector<16xf32>,
    %add3A_912 = arith.addf %add3A_907, %get3A_911 : vector<16xf32>
    %get3A_913 = arith.constant 3 : i32
    %get3A_914 = arith.constant 3 : i32
    %get3A_915 = arith.index_cast %get3A_913 : i32 to index
    %get3A_916 = arith.index_cast %get3A_914 : i32 to index
    %get3A_917 = arith.constant 32 : index
    %get3A_918 = tpu.vector_load %arg7[%get3A_915, %get3A_916, %get3A_917] {strides = array<i32>} : memref<4x4x128xi32, #tpu.memory_space<vmem>>, vector<16xi32>,
    %bitcast3A_919 = vector.bitcast %get3A_918 : vector<16xi32> to vector<16xf32>
    %sub3A_920 = arith.subf %add3A_912, %bitcast3A_919 : vector<16xf32>
    %mul3A_921 = arith.mulf %sub3A_920, %sub3A_920 : vector<16xf32>
    %add3A_922 = arith.addf %add3A_898, %mul3A_921 : vector<16xf32>
    %get3A_923 = arith.constant 3 : i32
    %get3A_924 = arith.index_cast %get3A_923 : i32 to index
    %get3A_925 = arith.constant 48 : index
    %get3A_926 = tpu.vector_load %arg8[%get3A_924, %get3A_925] {strides = array<i32>} : memref<4x128xf32, #tpu.memory_space<vmem>>, vector<16xf32>,
    %get3A_927 = arith.constant 3 : i32
    %get3A_928 = arith.index_cast %get3A_927 : i32 to index
    %get3A_929 = arith.constant 48 : index
    %get3A_930 = tpu.vector_load %arg9[%get3A_928, %get3A_929] {strides = array<i32>} : memref<4x128xf32, #tpu.memory_space<vmem>>, vector<16xf32>,
    %add3A_931 = arith.addf %get3A_926, %get3A_930 : vector<16xf32>
    %get3A_932 = arith.constant 3 : i32
    %get3A_933 = arith.index_cast %get3A_932 : i32 to index
    %get3A_934 = arith.constant 48 : index
    %get3A_935 = tpu.vector_load %arg10[%get3A_933, %get3A_934] {strides = array<i32>} : memref<4x128xf32, #tpu.memory_space<vmem>>, vector<16xf32>,
    %add3A_936 = arith.addf %add3A_931, %get3A_935 : vector<16xf32>
    %get3A_937 = arith.constant 3 : i32
    %get3A_938 = arith.constant 3 : i32
    %get3A_939 = arith.index_cast %get3A_937 : i32 to index
    %get3A_940 = arith.index_cast %get3A_938 : i32 to index
    %get3A_941 = arith.constant 48 : index
    %get3A_942 = tpu.vector_load %arg7[%get3A_939, %get3A_940, %get3A_941] {strides = array<i32>} : memref<4x4x128xi32, #tpu.memory_space<vmem>>, vector<16xi32>,
    %bitcast3A_943 = vector.bitcast %get3A_942 : vector<16xi32> to vector<16xf32>
    %sub3A_944 = arith.subf %add3A_936, %bitcast3A_943 : vector<16xf32>
    %mul3A_945 = arith.mulf %sub3A_944, %sub3A_944 : vector<16xf32>
    %add3A_946 = arith.addf %add3A_922, %mul3A_945 : vector<16xf32>
    %get3A_947 = arith.constant 3 : i32
    %get3A_948 = arith.index_cast %get3A_947 : i32 to index
    %get3A_949 = arith.constant 64 : index
    %get3A_950 = tpu.vector_load %arg8[%get3A_948, %get3A_949] {strides = array<i32>} : memref<4x128xf32, #tpu.memory_space<vmem>>, vector<16xf32>,
    %get3A_951 = arith.constant 3 : i32
    %get3A_952 = arith.index_cast %get3A_951 : i32 to index
    %get3A_953 = arith.constant 64 : index
    %get3A_954 = tpu.vector_load %arg9[%get3A_952, %get3A_953] {strides = array<i32>} : memref<4x128xf32, #tpu.memory_space<vmem>>, vector<16xf32>,
    %add3A_955 = arith.addf %get3A_950, %get3A_954 : vector<16xf32>
    %get3A_956 = arith.constant 3 : i32
    %get3A_957 = arith.index_cast %get3A_956 : i32 to index
    %get3A_958 = arith.constant 64 : index
    %get3A_959 = tpu.vector_load %arg10[%get3A_957, %get3A_958] {strides = array<i32>} : memref<4x128xf32, #tpu.memory_space<vmem>>, vector<16xf32>,
    %add3A_960 = arith.addf %add3A_955, %get3A_959 : vector<16xf32>
    %get3A_961 = arith.constant 3 : i32
    %get3A_962 = arith.constant 3 : i32
    %get3A_963 = arith.index_cast %get3A_961 : i32 to index
    %get3A_964 = arith.index_cast %get3A_962 : i32 to index
    %get3A_965 = arith.constant 64 : index
    %get3A_966 = tpu.vector_load %arg7[%get3A_963, %get3A_964, %get3A_965] {strides = array<i32>} : memref<4x4x128xi32, #tpu.memory_space<vmem>>, vector<16xi32>,
    %bitcast3A_967 = vector.bitcast %get3A_966 : vector<16xi32> to vector<16xf32>
    %sub3A_968 = arith.subf %add3A_960, %bitcast3A_967 : vector<16xf32>
    %mul3A_969 = arith.mulf %sub3A_968, %sub3A_968 : vector<16xf32>
    %add3A_970 = arith.addf %add3A_946, %mul3A_969 : vector<16xf32>
    %get3A_971 = arith.constant 3 : i32
    %get3A_972 = arith.index_cast %get3A_971 : i32 to index
    %get3A_973 = arith.constant 80 : index
    %get3A_974 = tpu.vector_load %arg8[%get3A_972, %get3A_973] {strides = array<i32>} : memref<4x128xf32, #tpu.memory_space<vmem>>, vector<16xf32>,
    %get3A_975 = arith.constant 3 : i32
    %get3A_976 = arith.index_cast %get3A_975 : i32 to index
    %get3A_977 = arith.constant 80 : index
    %get3A_978 = tpu.vector_load %arg9[%get3A_976, %get3A_977] {strides = array<i32>} : memref<4x128xf32, #tpu.memory_space<vmem>>, vector<16xf32>,
    %add3A_979 = arith.addf %get3A_974, %get3A_978 : vector<16xf32>
    %get3A_980 = arith.constant 3 : i32
    %get3A_981 = arith.index_cast %get3A_980 : i32 to index
    %get3A_982 = arith.constant 80 : index
    %get3A_983 = tpu.vector_load %arg10[%get3A_981, %get3A_982] {strides = array<i32>} : memref<4x128xf32, #tpu.memory_space<vmem>>, vector<16xf32>,
    %add3A_984 = arith.addf %add3A_979, %get3A_983 : vector<16xf32>
    %get3A_985 = arith.constant 3 : i32
    %get3A_986 = arith.constant 3 : i32
    %get3A_987 = arith.index_cast %get3A_985 : i32 to index
    %get3A_988 = arith.index_cast %get3A_986 : i32 to index
    %get3A_989 = arith.constant 80 : index
    %get3A_990 = tpu.vector_load %arg7[%get3A_987, %get3A_988, %get3A_989] {strides = array<i32>} : memref<4x4x128xi32, #tpu.memory_space<vmem>>, vector<16xi32>,
    %bitcast3A_991 = vector.bitcast %get3A_990 : vector<16xi32> to vector<16xf32>
    %sub3A_992 = arith.subf %add3A_984, %bitcast3A_991 : vector<16xf32>
    %mul3A_993 = arith.mulf %sub3A_992, %sub3A_992 : vector<16xf32>
    %add3A_994 = arith.addf %add3A_970, %mul3A_993 : vector<16xf32>
    %get3A_995 = arith.constant 3 : i32
    %get3A_996 = arith.index_cast %get3A_995 : i32 to index
    %get3A_997 = arith.constant 96 : index
    %get3A_998 = tpu.vector_load %arg8[%get3A_996, %get3A_997] {strides = array<i32>} : memref<4x128xf32, #tpu.memory_space<vmem>>, vector<16xf32>,
    %get3A_999 = arith.constant 3 : i32
    %get3A_1000 = arith.index_cast %get3A_999 : i32 to index
    %get3A_1001 = arith.constant 96 : index
    %get3A_1002 = tpu.vector_load %arg9[%get3A_1000, %get3A_1001] {strides = array<i32>} : memref<4x128xf32, #tpu.memory_space<vmem>>, vector<16xf32>,
    %add3A_1003 = arith.addf %get3A_998, %get3A_1002 : vector<16xf32>
    %get3A_1004 = arith.constant 3 : i32
    %get3A_1005 = arith.index_cast %get3A_1004 : i32 to index
    %get3A_1006 = arith.constant 96 : index
    %get3A_1007 = tpu.vector_load %arg10[%get3A_1005, %get3A_1006] {strides = array<i32>} : memref<4x128xf32, #tpu.memory_space<vmem>>, vector<16xf32>,
    %add3A_1008 = arith.addf %add3A_1003, %get3A_1007 : vector<16xf32>
    %get3A_1009 = arith.constant 3 : i32
    %get3A_1010 = arith.constant 3 : i32
    %get3A_1011 = arith.index_cast %get3A_1009 : i32 to index
    %get3A_1012 = arith.index_cast %get3A_1010 : i32 to index
    %get3A_1013 = arith.constant 96 : index
    %get3A_1014 = tpu.vector_load %arg7[%get3A_1011, %get3A_1012, %get3A_1013] {strides = array<i32>} : memref<4x4x128xi32, #tpu.memory_space<vmem>>, vector<16xi32>,
    %bitcast3A_1015 = vector.bitcast %get3A_1014 : vector<16xi32> to vector<16xf32>
    %sub3A_1016 = arith.subf %add3A_1008, %bitcast3A_1015 : vector<16xf32>
    %mul3A_1017 = arith.mulf %sub3A_1016, %sub3A_1016 : vector<16xf32>
    %add3A_1018 = arith.addf %add3A_994, %mul3A_1017 : vector<16xf32>
    %get3A_1019 = arith.constant 3 : i32
    %get3A_1020 = arith.index_cast %get3A_1019 : i32 to index
    %get3A_1021 = arith.constant 112 : index
    %get3A_1022 = tpu.vector_load %arg8[%get3A_1020, %get3A_1021] {strides = array<i32>} : memref<4x128xf32, #tpu.memory_space<vmem>>, vector<16xf32>,
    %get3A_1023 = arith.constant 3 : i32
    %get3A_1024 = arith.index_cast %get3A_1023 : i32 to index
    %get3A_1025 = arith.constant 112 : index
    %get3A_1026 = tpu.vector_load %arg9[%get3A_1024, %get3A_1025] {strides = array<i32>} : memref<4x128xf32, #tpu.memory_space<vmem>>, vector<16xf32>,
    %add3A_1027 = arith.addf %get3A_1022, %get3A_1026 : vector<16xf32>
    %get3A_1028 = arith.constant 3 : i32
    %get3A_1029 = arith.index_cast %get3A_1028 : i32 to index
    %get3A_1030 = arith.constant 112 : index
    %get3A_1031 = tpu.vector_load %arg10[%get3A_1029, %get3A_1030] {strides = array<i32>} : memref<4x128xf32, #tpu.memory_space<vmem>>, vector<16xf32>,
    %add3A_1032 = arith.addf %add3A_1027, %get3A_1031 : vector<16xf32>
    %get3A_1033 = arith.constant 3 : i32
    %get3A_1034 = arith.constant 3 : i32
    %get3A_1035 = arith.index_cast %get3A_1033 : i32 to index
    %get3A_1036 = arith.index_cast %get3A_1034 : i32 to index
    %get3A_1037 = arith.constant 112 : index
    %get3A_1038 = tpu.vector_load %arg7[%get3A_1035, %get3A_1036, %get3A_1037] {strides = array<i32>} : memref<4x4x128xi32, #tpu.memory_space<vmem>>, vector<16xi32>,
    %bitcast3A_1039 = vector.bitcast %get3A_1038 : vector<16xi32> to vector<16xf32>
    %sub3A_1040 = arith.subf %add3A_1032, %bitcast3A_1039 : vector<16xf32>
    %mul3A_1041 = arith.mulf %sub3A_1040, %sub3A_1040 : vector<16xf32>
    %add3A_1042 = arith.addf %add3A_1018, %mul3A_1041 : vector<16xf32>
    %swap3A = arith.constant 0 : index
    %swap3A_1043 = tpu.vector_load %arg11[%swap3A] {strides = array<i32>} : memref<16xf32, #tpu.memory_space<vmem>>, vector<16xf32>,
    tpu.vector_store %arg11[%swap3A], %add3A_1042 {strides = array<i32>} : memref<16xf32, #tpu.memory_space<vmem>>, vector<16xf32>,
    "tpu.region"() ({
      %run_scoped3A = tpu.sem_alloc : memref<!tpu.dma_semaphore, #tpu.memory_space<semaphore_mem>>
      %dma_start3A_1044 = arith.constant 0 : i32
      %dma_start3A_1045 = tpu.memref_slice %arg6[%add3A, %dma_start3A_1044] : memref<32x16xf32, #tpu.memory_space<hbm>> -> memref<1x16xf32, #tpu.memory_space<hbm>>
      %dma_start3A_1046 = tpu.memref_squeeze %dma_start3A_1045 : memref<1x16xf32, #tpu.memory_space<hbm>> -> memref<16xf32, #tpu.memory_space<hbm>>
      %dma_start3A_1047 = arith.constant 0 : i32
      %dma_start3A_1048 = tpu.memref_slice %arg6[%add3A, %dma_start3A_1047] : memref<32x16xf32, #tpu.memory_space<hbm>> -> memref<1x16xf32, #tpu.memory_space<hbm>>
      %dma_start3A_1049 = tpu.memref_squeeze %dma_start3A_1048 : memref<1x16xf32, #tpu.memory_space<hbm>> -> memref<16xf32, #tpu.memory_space<hbm>>
      tpu.enqueue_dma source(%arg11 : memref<16xf32, #tpu.memory_space<vmem>>) target(%dma_start3A_1049 : memref<16xf32, #tpu.memory_space<hbm>>) target_semaphore(%run_scoped3A : memref<!tpu.dma_semaphore, #tpu.memory_space<semaphore_mem>>)
      %dma_wait3A_1050 = arith.constant 0 : i32
      %dma_wait3A_1051 = tpu.memref_slice %arg6[%add3A, %dma_wait3A_1050] : memref<32x16xf32, #tpu.memory_space<hbm>> -> memref<1x16xf32, #tpu.memory_space<hbm>>
      %dma_wait3A_1052 = tpu.memref_squeeze %dma_wait3A_1051 : memref<1x16xf32, #tpu.memory_space<hbm>> -> memref<16xf32, #tpu.memory_space<hbm>>
      %dma_wait3A_1053 = arith.constant 0 : i32
      %dma_wait3A_1054 = tpu.memref_slice %arg6[%add3A, %dma_wait3A_1053] : memref<32x16xf32, #tpu.memory_space<hbm>> -> memref<1x16xf32, #tpu.memory_space<hbm>>
      %dma_wait3A_1055 = tpu.memref_squeeze %dma_wait3A_1054 : memref<1x16xf32, #tpu.memory_space<hbm>> -> memref<16xf32, #tpu.memory_space<hbm>>
      tpu.wait_dma2 semaphore(%run_scoped3A : memref<!tpu.dma_semaphore, #tpu.memory_space<semaphore_mem>>) src(%arg11 : memref<16xf32, #tpu.memory_space<vmem>>) dst(%dma_wait3A_1055 : memref<16xf32, #tpu.memory_space<hbm>>)
      tpu.yield
    }) : () -> ()
    return
  }
}

module attributes {stable_mosaic.version = 14 : i64} {
  func.func @_tables_body(%arg0: memref<1024x128xf32, #tpu.memory_space<vmem>>, %arg1: memref<1024x128xf32, #tpu.memory_space<vmem>>, %arg2: memref<1024x128xf32, #tpu.memory_space<vmem>>, %arg3: memref<1024x128xf32, #tpu.memory_space<vmem>>, %arg4: memref<1024x128xf32, #tpu.memory_space<vmem>>, %arg5: memref<1024x128xf32, #tpu.memory_space<vmem>>, %arg6: memref<1024xf32, #tpu.memory_space<vmem>>, %arg7: memref<1024xf32, #tpu.memory_space<vmem>>, %arg8: memref<1024xf32, #tpu.memory_space<vmem>>, %arg9: memref<1xf32, #tpu.memory_space<smem>>, %arg10: memref<16384xi32, #tpu.memory_space<vmem>>, %arg11: memref<16384xi32, #tpu.memory_space<vmem>>, %arg12: memref<16384xi32, #tpu.memory_space<vmem>>, %arg13: memref<16384xi32, #tpu.memory_space<vmem>>, %arg14: memref<16384xf32, #tpu.memory_space<vmem>>, %arg15: memref<1048576xf32, #tpu.memory_space<hbm>>, %arg16: memref<1048576xf32, #tpu.memory_space<hbm>>, %arg17: memref<1048576xf32, #tpu.memory_space<hbm>>, %arg18: memref<4x128x128xi32, #tpu.memory_space<hbm>>, %arg19: memref<1048576xf32, #tpu.memory_space<vmem>>, %arg20: memref<1048576xf32, #tpu.memory_space<vmem>>, %arg21: memref<1048576xf32, #tpu.memory_space<vmem>>, %arg22: memref<4x128x128xi32, #tpu.memory_space<vmem>>, %arg23: memref<!tpu.dma_semaphore, #tpu.memory_space<semaphore_mem>>) attributes {dimension_semantics = [], scalar_prefetch = 0 : i64, scratch_operands = 5 : i64, tpu.core_type = #tpu.core_type<tc>} {
    %get3A = arith.constant 0 : index
    %get3A_0 = memref.load %arg9[%get3A] : memref<1xf32, #tpu.memory_space<smem>>
    %get3A_1 = arith.constant 0 : index
    %get3A_2 = arith.constant 0 : index
    %get3A_3 = vector.load %arg0[%get3A_1, %get3A_2] : memref<1024x128xf32, #tpu.memory_space<vmem>>, vector<128x128xf32>
    %get3A_4 = arith.constant 0 : index
    %get3A_5 = arith.constant 0 : index
    %get3A_6 = vector.load %arg1[%get3A_4, %get3A_5] : memref<1024x128xf32, #tpu.memory_space<vmem>>, vector<1024x128xf32>
    %dot_general3A = arith.constant dense<0.000000e+00> : vector<128x1024xf32>
    %dot_general3A_7 = tpu.matmul %get3A_3, %get3A_6, %dot_general3A {dimension_numbers = #tpu.dot_dimension_numbers<[1], [1], [0], [0], [0, 0, 1, 0], [], []>, transpose_lhs_hint = false} : vector<128x128xf32>, vector<1024x128xf32>, vector<128x1024xf32> -> vector<128x1024xf32>
    %mul3A = arith.constant 1.000000e+00 : f32
    %mul3A_8 = vector.broadcast %mul3A : f32 to vector<128x1024xf32>
    %mul3A_9 = arith.mulf %mul3A_8, %dot_general3A_7 : vector<128x1024xf32>
    %get3A_10 = arith.constant 0 : index
    %get3A_11 = vector.load %arg6[%get3A_10] : memref<1024xf32, #tpu.memory_space<vmem>>, vector<128xf32>
    %reshape3A = vector.shape_cast %get3A_11 : vector<128xf32> to vector<128x1xf32>
    %add3A = vector.broadcast %reshape3A : vector<128x1xf32> to vector<128x1024xf32>
    %add3A_12 = arith.addf %mul3A_9, %add3A : vector<128x1024xf32>
    %add3A_13 = vector.broadcast %get3A_0 : f32 to vector<128x1024xf32>
    %add3A_14 = arith.addf %add3A_12, %add3A_13 : vector<128x1024xf32>
    %reshape3A_15 = vector.shape_cast %add3A_14 : vector<128x1024xf32> to vector<131072xf32>
    %swap3A = arith.constant 0 : index
    %swap3A_16 = vector.load %arg19[%swap3A] : memref<1048576xf32, #tpu.memory_space<vmem>>, vector<131072xf32>
    tpu.vector_store %arg19[%swap3A], %reshape3A_15 {strides = array<i32>} : memref<1048576xf32, #tpu.memory_space<vmem>>, vector<131072xf32>,
    %dma_start3A = arith.constant 0 : i32
    %dma_start3A_17 = tpu.memref_slice %arg15[%dma_start3A] : memref<1048576xf32, #tpu.memory_space<hbm>> -> memref<131072xf32, #tpu.memory_space<hbm>>
    %dma_start3A_18 = arith.constant 0 : i32
    %dma_start3A_19 = tpu.memref_slice %arg19[%dma_start3A_18] : memref<1048576xf32, #tpu.memory_space<vmem>> -> memref<131072xf32, #tpu.memory_space<vmem>>
    tpu.enqueue_dma source(%dma_start3A_19 : memref<131072xf32, #tpu.memory_space<vmem>>) target(%dma_start3A_17 : memref<131072xf32, #tpu.memory_space<hbm>>) target_semaphore(%arg23 : memref<!tpu.dma_semaphore, #tpu.memory_space<semaphore_mem>>)
    %get3A_20 = arith.constant 128 : index
    %get3A_21 = arith.constant 0 : index
    %get3A_22 = vector.load %arg0[%get3A_20, %get3A_21] : memref<1024x128xf32, #tpu.memory_space<vmem>>, vector<128x128xf32>
    %get3A_23 = arith.constant 0 : index
    %get3A_24 = arith.constant 0 : index
    %get3A_25 = vector.load %arg1[%get3A_23, %get3A_24] : memref<1024x128xf32, #tpu.memory_space<vmem>>, vector<1024x128xf32>
    %dot_general3A_26 = arith.constant dense<0.000000e+00> : vector<128x1024xf32>
    %dot_general3A_27 = tpu.matmul %get3A_22, %get3A_25, %dot_general3A_26 {dimension_numbers = #tpu.dot_dimension_numbers<[1], [1], [0], [0], [0, 0, 1, 0], [], []>, transpose_lhs_hint = false} : vector<128x128xf32>, vector<1024x128xf32>, vector<128x1024xf32> -> vector<128x1024xf32>
    %mul3A_28 = arith.constant 1.000000e+00 : f32
    %mul3A_29 = vector.broadcast %mul3A_28 : f32 to vector<128x1024xf32>
    %mul3A_30 = arith.mulf %mul3A_29, %dot_general3A_27 : vector<128x1024xf32>
    %get3A_31 = arith.constant 128 : index
    %get3A_32 = vector.load %arg6[%get3A_31] : memref<1024xf32, #tpu.memory_space<vmem>>, vector<128xf32>
    %reshape3A_33 = vector.shape_cast %get3A_32 : vector<128xf32> to vector<128x1xf32>
    %add3A_34 = vector.broadcast %reshape3A_33 : vector<128x1xf32> to vector<128x1024xf32>
    %add3A_35 = arith.addf %mul3A_30, %add3A_34 : vector<128x1024xf32>
    %add3A_36 = vector.broadcast %get3A_0 : f32 to vector<128x1024xf32>
    %add3A_37 = arith.addf %add3A_35, %add3A_36 : vector<128x1024xf32>
    %reshape3A_38 = vector.shape_cast %add3A_37 : vector<128x1024xf32> to vector<131072xf32>
    %swap3A_39 = arith.constant 131072 : index
    %swap3A_40 = vector.load %arg19[%swap3A_39] : memref<1048576xf32, #tpu.memory_space<vmem>>, vector<131072xf32>
    tpu.vector_store %arg19[%swap3A_39], %reshape3A_38 {strides = array<i32>} : memref<1048576xf32, #tpu.memory_space<vmem>>, vector<131072xf32>,
    %dma_start3A_41 = arith.constant 131072 : i32
    %dma_start3A_42 = tpu.memref_slice %arg15[%dma_start3A_41] : memref<1048576xf32, #tpu.memory_space<hbm>> -> memref<131072xf32, #tpu.memory_space<hbm>>
    %dma_start3A_43 = arith.constant 131072 : i32
    %dma_start3A_44 = tpu.memref_slice %arg19[%dma_start3A_43] : memref<1048576xf32, #tpu.memory_space<vmem>> -> memref<131072xf32, #tpu.memory_space<vmem>>
    tpu.enqueue_dma source(%dma_start3A_44 : memref<131072xf32, #tpu.memory_space<vmem>>) target(%dma_start3A_42 : memref<131072xf32, #tpu.memory_space<hbm>>) target_semaphore(%arg23 : memref<!tpu.dma_semaphore, #tpu.memory_space<semaphore_mem>>)
    %get3A_45 = arith.constant 256 : index
    %get3A_46 = arith.constant 0 : index
    %get3A_47 = vector.load %arg0[%get3A_45, %get3A_46] : memref<1024x128xf32, #tpu.memory_space<vmem>>, vector<128x128xf32>
    %get3A_48 = arith.constant 0 : index
    %get3A_49 = arith.constant 0 : index
    %get3A_50 = vector.load %arg1[%get3A_48, %get3A_49] : memref<1024x128xf32, #tpu.memory_space<vmem>>, vector<1024x128xf32>
    %dot_general3A_51 = arith.constant dense<0.000000e+00> : vector<128x1024xf32>
    %dot_general3A_52 = tpu.matmul %get3A_47, %get3A_50, %dot_general3A_51 {dimension_numbers = #tpu.dot_dimension_numbers<[1], [1], [0], [0], [0, 0, 1, 0], [], []>, transpose_lhs_hint = false} : vector<128x128xf32>, vector<1024x128xf32>, vector<128x1024xf32> -> vector<128x1024xf32>
    %mul3A_53 = arith.constant 1.000000e+00 : f32
    %mul3A_54 = vector.broadcast %mul3A_53 : f32 to vector<128x1024xf32>
    %mul3A_55 = arith.mulf %mul3A_54, %dot_general3A_52 : vector<128x1024xf32>
    %get3A_56 = arith.constant 256 : index
    %get3A_57 = vector.load %arg6[%get3A_56] : memref<1024xf32, #tpu.memory_space<vmem>>, vector<128xf32>
    %reshape3A_58 = vector.shape_cast %get3A_57 : vector<128xf32> to vector<128x1xf32>
    %add3A_59 = vector.broadcast %reshape3A_58 : vector<128x1xf32> to vector<128x1024xf32>
    %add3A_60 = arith.addf %mul3A_55, %add3A_59 : vector<128x1024xf32>
    %add3A_61 = vector.broadcast %get3A_0 : f32 to vector<128x1024xf32>
    %add3A_62 = arith.addf %add3A_60, %add3A_61 : vector<128x1024xf32>
    %reshape3A_63 = vector.shape_cast %add3A_62 : vector<128x1024xf32> to vector<131072xf32>
    %swap3A_64 = arith.constant 262144 : index
    %swap3A_65 = vector.load %arg19[%swap3A_64] : memref<1048576xf32, #tpu.memory_space<vmem>>, vector<131072xf32>
    tpu.vector_store %arg19[%swap3A_64], %reshape3A_63 {strides = array<i32>} : memref<1048576xf32, #tpu.memory_space<vmem>>, vector<131072xf32>,
    %dma_start3A_66 = arith.constant 262144 : i32
    %dma_start3A_67 = tpu.memref_slice %arg15[%dma_start3A_66] : memref<1048576xf32, #tpu.memory_space<hbm>> -> memref<131072xf32, #tpu.memory_space<hbm>>
    %dma_start3A_68 = arith.constant 262144 : i32
    %dma_start3A_69 = tpu.memref_slice %arg19[%dma_start3A_68] : memref<1048576xf32, #tpu.memory_space<vmem>> -> memref<131072xf32, #tpu.memory_space<vmem>>
    tpu.enqueue_dma source(%dma_start3A_69 : memref<131072xf32, #tpu.memory_space<vmem>>) target(%dma_start3A_67 : memref<131072xf32, #tpu.memory_space<hbm>>) target_semaphore(%arg23 : memref<!tpu.dma_semaphore, #tpu.memory_space<semaphore_mem>>)
    %get3A_70 = arith.constant 384 : index
    %get3A_71 = arith.constant 0 : index
    %get3A_72 = vector.load %arg0[%get3A_70, %get3A_71] : memref<1024x128xf32, #tpu.memory_space<vmem>>, vector<128x128xf32>
    %get3A_73 = arith.constant 0 : index
    %get3A_74 = arith.constant 0 : index
    %get3A_75 = vector.load %arg1[%get3A_73, %get3A_74] : memref<1024x128xf32, #tpu.memory_space<vmem>>, vector<1024x128xf32>
    %dot_general3A_76 = arith.constant dense<0.000000e+00> : vector<128x1024xf32>
    %dot_general3A_77 = tpu.matmul %get3A_72, %get3A_75, %dot_general3A_76 {dimension_numbers = #tpu.dot_dimension_numbers<[1], [1], [0], [0], [0, 0, 1, 0], [], []>, transpose_lhs_hint = false} : vector<128x128xf32>, vector<1024x128xf32>, vector<128x1024xf32> -> vector<128x1024xf32>
    %mul3A_78 = arith.constant 1.000000e+00 : f32
    %mul3A_79 = vector.broadcast %mul3A_78 : f32 to vector<128x1024xf32>
    %mul3A_80 = arith.mulf %mul3A_79, %dot_general3A_77 : vector<128x1024xf32>
    %get3A_81 = arith.constant 384 : index
    %get3A_82 = vector.load %arg6[%get3A_81] : memref<1024xf32, #tpu.memory_space<vmem>>, vector<128xf32>
    %reshape3A_83 = vector.shape_cast %get3A_82 : vector<128xf32> to vector<128x1xf32>
    %add3A_84 = vector.broadcast %reshape3A_83 : vector<128x1xf32> to vector<128x1024xf32>
    %add3A_85 = arith.addf %mul3A_80, %add3A_84 : vector<128x1024xf32>
    %add3A_86 = vector.broadcast %get3A_0 : f32 to vector<128x1024xf32>
    %add3A_87 = arith.addf %add3A_85, %add3A_86 : vector<128x1024xf32>
    %reshape3A_88 = vector.shape_cast %add3A_87 : vector<128x1024xf32> to vector<131072xf32>
    %swap3A_89 = arith.constant 393216 : index
    %swap3A_90 = vector.load %arg19[%swap3A_89] : memref<1048576xf32, #tpu.memory_space<vmem>>, vector<131072xf32>
    tpu.vector_store %arg19[%swap3A_89], %reshape3A_88 {strides = array<i32>} : memref<1048576xf32, #tpu.memory_space<vmem>>, vector<131072xf32>,
    %dma_start3A_91 = arith.constant 393216 : i32
    %dma_start3A_92 = tpu.memref_slice %arg15[%dma_start3A_91] : memref<1048576xf32, #tpu.memory_space<hbm>> -> memref<131072xf32, #tpu.memory_space<hbm>>
    %dma_start3A_93 = arith.constant 393216 : i32
    %dma_start3A_94 = tpu.memref_slice %arg19[%dma_start3A_93] : memref<1048576xf32, #tpu.memory_space<vmem>> -> memref<131072xf32, #tpu.memory_space<vmem>>
    tpu.enqueue_dma source(%dma_start3A_94 : memref<131072xf32, #tpu.memory_space<vmem>>) target(%dma_start3A_92 : memref<131072xf32, #tpu.memory_space<hbm>>) target_semaphore(%arg23 : memref<!tpu.dma_semaphore, #tpu.memory_space<semaphore_mem>>)
    %get3A_95 = arith.constant 512 : index
    %get3A_96 = arith.constant 0 : index
    %get3A_97 = vector.load %arg0[%get3A_95, %get3A_96] : memref<1024x128xf32, #tpu.memory_space<vmem>>, vector<128x128xf32>
    %get3A_98 = arith.constant 0 : index
    %get3A_99 = arith.constant 0 : index
    %get3A_100 = vector.load %arg1[%get3A_98, %get3A_99] : memref<1024x128xf32, #tpu.memory_space<vmem>>, vector<1024x128xf32>
    %dot_general3A_101 = arith.constant dense<0.000000e+00> : vector<128x1024xf32>
    %dot_general3A_102 = tpu.matmul %get3A_97, %get3A_100, %dot_general3A_101 {dimension_numbers = #tpu.dot_dimension_numbers<[1], [1], [0], [0], [0, 0, 1, 0], [], []>, transpose_lhs_hint = false} : vector<128x128xf32>, vector<1024x128xf32>, vector<128x1024xf32> -> vector<128x1024xf32>
    %mul3A_103 = arith.constant 1.000000e+00 : f32
    %mul3A_104 = vector.broadcast %mul3A_103 : f32 to vector<128x1024xf32>
    %mul3A_105 = arith.mulf %mul3A_104, %dot_general3A_102 : vector<128x1024xf32>
    %get3A_106 = arith.constant 512 : index
    %get3A_107 = vector.load %arg6[%get3A_106] : memref<1024xf32, #tpu.memory_space<vmem>>, vector<128xf32>
    %reshape3A_108 = vector.shape_cast %get3A_107 : vector<128xf32> to vector<128x1xf32>
    %add3A_109 = vector.broadcast %reshape3A_108 : vector<128x1xf32> to vector<128x1024xf32>
    %add3A_110 = arith.addf %mul3A_105, %add3A_109 : vector<128x1024xf32>
    %add3A_111 = vector.broadcast %get3A_0 : f32 to vector<128x1024xf32>
    %add3A_112 = arith.addf %add3A_110, %add3A_111 : vector<128x1024xf32>
    %reshape3A_113 = vector.shape_cast %add3A_112 : vector<128x1024xf32> to vector<131072xf32>
    %swap3A_114 = arith.constant 524288 : index
    %swap3A_115 = vector.load %arg19[%swap3A_114] : memref<1048576xf32, #tpu.memory_space<vmem>>, vector<131072xf32>
    tpu.vector_store %arg19[%swap3A_114], %reshape3A_113 {strides = array<i32>} : memref<1048576xf32, #tpu.memory_space<vmem>>, vector<131072xf32>,
    %dma_start3A_116 = arith.constant 524288 : i32
    %dma_start3A_117 = tpu.memref_slice %arg15[%dma_start3A_116] : memref<1048576xf32, #tpu.memory_space<hbm>> -> memref<131072xf32, #tpu.memory_space<hbm>>
    %dma_start3A_118 = arith.constant 524288 : i32
    %dma_start3A_119 = tpu.memref_slice %arg19[%dma_start3A_118] : memref<1048576xf32, #tpu.memory_space<vmem>> -> memref<131072xf32, #tpu.memory_space<vmem>>
    tpu.enqueue_dma source(%dma_start3A_119 : memref<131072xf32, #tpu.memory_space<vmem>>) target(%dma_start3A_117 : memref<131072xf32, #tpu.memory_space<hbm>>) target_semaphore(%arg23 : memref<!tpu.dma_semaphore, #tpu.memory_space<semaphore_mem>>)
    %get3A_120 = arith.constant 640 : index
    %get3A_121 = arith.constant 0 : index
    %get3A_122 = vector.load %arg0[%get3A_120, %get3A_121] : memref<1024x128xf32, #tpu.memory_space<vmem>>, vector<128x128xf32>
    %get3A_123 = arith.constant 0 : index
    %get3A_124 = arith.constant 0 : index
    %get3A_125 = vector.load %arg1[%get3A_123, %get3A_124] : memref<1024x128xf32, #tpu.memory_space<vmem>>, vector<1024x128xf32>
    %dot_general3A_126 = arith.constant dense<0.000000e+00> : vector<128x1024xf32>
    %dot_general3A_127 = tpu.matmul %get3A_122, %get3A_125, %dot_general3A_126 {dimension_numbers = #tpu.dot_dimension_numbers<[1], [1], [0], [0], [0, 0, 1, 0], [], []>, transpose_lhs_hint = false} : vector<128x128xf32>, vector<1024x128xf32>, vector<128x1024xf32> -> vector<128x1024xf32>
    %mul3A_128 = arith.constant 1.000000e+00 : f32
    %mul3A_129 = vector.broadcast %mul3A_128 : f32 to vector<128x1024xf32>
    %mul3A_130 = arith.mulf %mul3A_129, %dot_general3A_127 : vector<128x1024xf32>
    %get3A_131 = arith.constant 640 : index
    %get3A_132 = vector.load %arg6[%get3A_131] : memref<1024xf32, #tpu.memory_space<vmem>>, vector<128xf32>
    %reshape3A_133 = vector.shape_cast %get3A_132 : vector<128xf32> to vector<128x1xf32>
    %add3A_134 = vector.broadcast %reshape3A_133 : vector<128x1xf32> to vector<128x1024xf32>
    %add3A_135 = arith.addf %mul3A_130, %add3A_134 : vector<128x1024xf32>
    %add3A_136 = vector.broadcast %get3A_0 : f32 to vector<128x1024xf32>
    %add3A_137 = arith.addf %add3A_135, %add3A_136 : vector<128x1024xf32>
    %reshape3A_138 = vector.shape_cast %add3A_137 : vector<128x1024xf32> to vector<131072xf32>
    %swap3A_139 = arith.constant 655360 : index
    %swap3A_140 = vector.load %arg19[%swap3A_139] : memref<1048576xf32, #tpu.memory_space<vmem>>, vector<131072xf32>
    tpu.vector_store %arg19[%swap3A_139], %reshape3A_138 {strides = array<i32>} : memref<1048576xf32, #tpu.memory_space<vmem>>, vector<131072xf32>,
    %dma_start3A_141 = arith.constant 655360 : i32
    %dma_start3A_142 = tpu.memref_slice %arg15[%dma_start3A_141] : memref<1048576xf32, #tpu.memory_space<hbm>> -> memref<131072xf32, #tpu.memory_space<hbm>>
    %dma_start3A_143 = arith.constant 655360 : i32
    %dma_start3A_144 = tpu.memref_slice %arg19[%dma_start3A_143] : memref<1048576xf32, #tpu.memory_space<vmem>> -> memref<131072xf32, #tpu.memory_space<vmem>>
    tpu.enqueue_dma source(%dma_start3A_144 : memref<131072xf32, #tpu.memory_space<vmem>>) target(%dma_start3A_142 : memref<131072xf32, #tpu.memory_space<hbm>>) target_semaphore(%arg23 : memref<!tpu.dma_semaphore, #tpu.memory_space<semaphore_mem>>)
    %get3A_145 = arith.constant 768 : index
    %get3A_146 = arith.constant 0 : index
    %get3A_147 = vector.load %arg0[%get3A_145, %get3A_146] : memref<1024x128xf32, #tpu.memory_space<vmem>>, vector<128x128xf32>
    %get3A_148 = arith.constant 0 : index
    %get3A_149 = arith.constant 0 : index
    %get3A_150 = vector.load %arg1[%get3A_148, %get3A_149] : memref<1024x128xf32, #tpu.memory_space<vmem>>, vector<1024x128xf32>
    %dot_general3A_151 = arith.constant dense<0.000000e+00> : vector<128x1024xf32>
    %dot_general3A_152 = tpu.matmul %get3A_147, %get3A_150, %dot_general3A_151 {dimension_numbers = #tpu.dot_dimension_numbers<[1], [1], [0], [0], [0, 0, 1, 0], [], []>, transpose_lhs_hint = false} : vector<128x128xf32>, vector<1024x128xf32>, vector<128x1024xf32> -> vector<128x1024xf32>
    %mul3A_153 = arith.constant 1.000000e+00 : f32
    %mul3A_154 = vector.broadcast %mul3A_153 : f32 to vector<128x1024xf32>
    %mul3A_155 = arith.mulf %mul3A_154, %dot_general3A_152 : vector<128x1024xf32>
    %get3A_156 = arith.constant 768 : index
    %get3A_157 = vector.load %arg6[%get3A_156] : memref<1024xf32, #tpu.memory_space<vmem>>, vector<128xf32>
    %reshape3A_158 = vector.shape_cast %get3A_157 : vector<128xf32> to vector<128x1xf32>
    %add3A_159 = vector.broadcast %reshape3A_158 : vector<128x1xf32> to vector<128x1024xf32>
    %add3A_160 = arith.addf %mul3A_155, %add3A_159 : vector<128x1024xf32>
    %add3A_161 = vector.broadcast %get3A_0 : f32 to vector<128x1024xf32>
    %add3A_162 = arith.addf %add3A_160, %add3A_161 : vector<128x1024xf32>
    %reshape3A_163 = vector.shape_cast %add3A_162 : vector<128x1024xf32> to vector<131072xf32>
    %swap3A_164 = arith.constant 786432 : index
    %swap3A_165 = vector.load %arg19[%swap3A_164] : memref<1048576xf32, #tpu.memory_space<vmem>>, vector<131072xf32>
    tpu.vector_store %arg19[%swap3A_164], %reshape3A_163 {strides = array<i32>} : memref<1048576xf32, #tpu.memory_space<vmem>>, vector<131072xf32>,
    %dma_start3A_166 = arith.constant 786432 : i32
    %dma_start3A_167 = tpu.memref_slice %arg15[%dma_start3A_166] : memref<1048576xf32, #tpu.memory_space<hbm>> -> memref<131072xf32, #tpu.memory_space<hbm>>
    %dma_start3A_168 = arith.constant 786432 : i32
    %dma_start3A_169 = tpu.memref_slice %arg19[%dma_start3A_168] : memref<1048576xf32, #tpu.memory_space<vmem>> -> memref<131072xf32, #tpu.memory_space<vmem>>
    tpu.enqueue_dma source(%dma_start3A_169 : memref<131072xf32, #tpu.memory_space<vmem>>) target(%dma_start3A_167 : memref<131072xf32, #tpu.memory_space<hbm>>) target_semaphore(%arg23 : memref<!tpu.dma_semaphore, #tpu.memory_space<semaphore_mem>>)
    %get3A_170 = arith.constant 896 : index
    %get3A_171 = arith.constant 0 : index
    %get3A_172 = vector.load %arg0[%get3A_170, %get3A_171] : memref<1024x128xf32, #tpu.memory_space<vmem>>, vector<128x128xf32>
    %get3A_173 = arith.constant 0 : index
    %get3A_174 = arith.constant 0 : index
    %get3A_175 = vector.load %arg1[%get3A_173, %get3A_174] : memref<1024x128xf32, #tpu.memory_space<vmem>>, vector<1024x128xf32>
    %dot_general3A_176 = arith.constant dense<0.000000e+00> : vector<128x1024xf32>
    %dot_general3A_177 = tpu.matmul %get3A_172, %get3A_175, %dot_general3A_176 {dimension_numbers = #tpu.dot_dimension_numbers<[1], [1], [0], [0], [0, 0, 1, 0], [], []>, transpose_lhs_hint = false} : vector<128x128xf32>, vector<1024x128xf32>, vector<128x1024xf32> -> vector<128x1024xf32>
    %mul3A_178 = arith.constant 1.000000e+00 : f32
    %mul3A_179 = vector.broadcast %mul3A_178 : f32 to vector<128x1024xf32>
    %mul3A_180 = arith.mulf %mul3A_179, %dot_general3A_177 : vector<128x1024xf32>
    %get3A_181 = arith.constant 896 : index
    %get3A_182 = vector.load %arg6[%get3A_181] : memref<1024xf32, #tpu.memory_space<vmem>>, vector<128xf32>
    %reshape3A_183 = vector.shape_cast %get3A_182 : vector<128xf32> to vector<128x1xf32>
    %add3A_184 = vector.broadcast %reshape3A_183 : vector<128x1xf32> to vector<128x1024xf32>
    %add3A_185 = arith.addf %mul3A_180, %add3A_184 : vector<128x1024xf32>
    %add3A_186 = vector.broadcast %get3A_0 : f32 to vector<128x1024xf32>
    %add3A_187 = arith.addf %add3A_185, %add3A_186 : vector<128x1024xf32>
    %reshape3A_188 = vector.shape_cast %add3A_187 : vector<128x1024xf32> to vector<131072xf32>
    %swap3A_189 = arith.constant 917504 : index
    %swap3A_190 = vector.load %arg19[%swap3A_189] : memref<1048576xf32, #tpu.memory_space<vmem>>, vector<131072xf32>
    tpu.vector_store %arg19[%swap3A_189], %reshape3A_188 {strides = array<i32>} : memref<1048576xf32, #tpu.memory_space<vmem>>, vector<131072xf32>,
    %dma_start3A_191 = arith.constant 917504 : i32
    %dma_start3A_192 = tpu.memref_slice %arg15[%dma_start3A_191] : memref<1048576xf32, #tpu.memory_space<hbm>> -> memref<131072xf32, #tpu.memory_space<hbm>>
    %dma_start3A_193 = arith.constant 917504 : i32
    %dma_start3A_194 = tpu.memref_slice %arg19[%dma_start3A_193] : memref<1048576xf32, #tpu.memory_space<vmem>> -> memref<131072xf32, #tpu.memory_space<vmem>>
    tpu.enqueue_dma source(%dma_start3A_194 : memref<131072xf32, #tpu.memory_space<vmem>>) target(%dma_start3A_192 : memref<131072xf32, #tpu.memory_space<hbm>>) target_semaphore(%arg23 : memref<!tpu.dma_semaphore, #tpu.memory_space<semaphore_mem>>)
    %get3A_195 = arith.constant 0 : index
    %get3A_196 = arith.constant 0 : index
    %get3A_197 = vector.load %arg2[%get3A_195, %get3A_196] : memref<1024x128xf32, #tpu.memory_space<vmem>>, vector<128x128xf32>
    %get3A_198 = arith.constant 0 : index
    %get3A_199 = arith.constant 0 : index
    %get3A_200 = vector.load %arg3[%get3A_198, %get3A_199] : memref<1024x128xf32, #tpu.memory_space<vmem>>, vector<1024x128xf32>
    %dot_general3A_201 = arith.constant dense<0.000000e+00> : vector<128x1024xf32>
    %dot_general3A_202 = tpu.matmul %get3A_197, %get3A_200, %dot_general3A_201 {dimension_numbers = #tpu.dot_dimension_numbers<[1], [1], [0], [0], [0, 0, 1, 0], [], []>, transpose_lhs_hint = false} : vector<128x128xf32>, vector<1024x128xf32>, vector<128x1024xf32> -> vector<128x1024xf32>
    %mul3A_203 = arith.constant 1.000000e+00 : f32
    %mul3A_204 = vector.broadcast %mul3A_203 : f32 to vector<128x1024xf32>
    %mul3A_205 = arith.mulf %mul3A_204, %dot_general3A_202 : vector<128x1024xf32>
    %get3A_206 = arith.constant 0 : index
    %get3A_207 = vector.load %arg7[%get3A_206] : memref<1024xf32, #tpu.memory_space<vmem>>, vector<128xf32>
    %reshape3A_208 = vector.shape_cast %get3A_207 : vector<128xf32> to vector<128x1xf32>
    %add3A_209 = vector.broadcast %reshape3A_208 : vector<128x1xf32> to vector<128x1024xf32>
    %add3A_210 = arith.addf %mul3A_205, %add3A_209 : vector<128x1024xf32>
    %add3A_211 = arith.constant 0.000000e+00 : f32
    %add3A_212 = vector.broadcast %add3A_211 : f32 to vector<128x1024xf32>
    %add3A_213 = arith.addf %add3A_210, %add3A_212 : vector<128x1024xf32>
    %reshape3A_214 = vector.shape_cast %add3A_213 : vector<128x1024xf32> to vector<131072xf32>
    %swap3A_215 = arith.constant 0 : index
    %swap3A_216 = vector.load %arg20[%swap3A_215] : memref<1048576xf32, #tpu.memory_space<vmem>>, vector<131072xf32>
    tpu.vector_store %arg20[%swap3A_215], %reshape3A_214 {strides = array<i32>} : memref<1048576xf32, #tpu.memory_space<vmem>>, vector<131072xf32>,
    %dma_start3A_217 = arith.constant 0 : i32
    %dma_start3A_218 = tpu.memref_slice %arg16[%dma_start3A_217] : memref<1048576xf32, #tpu.memory_space<hbm>> -> memref<131072xf32, #tpu.memory_space<hbm>>
    %dma_start3A_219 = arith.constant 0 : i32
    %dma_start3A_220 = tpu.memref_slice %arg20[%dma_start3A_219] : memref<1048576xf32, #tpu.memory_space<vmem>> -> memref<131072xf32, #tpu.memory_space<vmem>>
    tpu.enqueue_dma source(%dma_start3A_220 : memref<131072xf32, #tpu.memory_space<vmem>>) target(%dma_start3A_218 : memref<131072xf32, #tpu.memory_space<hbm>>) target_semaphore(%arg23 : memref<!tpu.dma_semaphore, #tpu.memory_space<semaphore_mem>>)
    %get3A_221 = arith.constant 128 : index
    %get3A_222 = arith.constant 0 : index
    %get3A_223 = vector.load %arg2[%get3A_221, %get3A_222] : memref<1024x128xf32, #tpu.memory_space<vmem>>, vector<128x128xf32>
    %get3A_224 = arith.constant 0 : index
    %get3A_225 = arith.constant 0 : index
    %get3A_226 = vector.load %arg3[%get3A_224, %get3A_225] : memref<1024x128xf32, #tpu.memory_space<vmem>>, vector<1024x128xf32>
    %dot_general3A_227 = arith.constant dense<0.000000e+00> : vector<128x1024xf32>
    %dot_general3A_228 = tpu.matmul %get3A_223, %get3A_226, %dot_general3A_227 {dimension_numbers = #tpu.dot_dimension_numbers<[1], [1], [0], [0], [0, 0, 1, 0], [], []>, transpose_lhs_hint = false} : vector<128x128xf32>, vector<1024x128xf32>, vector<128x1024xf32> -> vector<128x1024xf32>
    %mul3A_229 = arith.constant 1.000000e+00 : f32
    %mul3A_230 = vector.broadcast %mul3A_229 : f32 to vector<128x1024xf32>
    %mul3A_231 = arith.mulf %mul3A_230, %dot_general3A_228 : vector<128x1024xf32>
    %get3A_232 = arith.constant 128 : index
    %get3A_233 = vector.load %arg7[%get3A_232] : memref<1024xf32, #tpu.memory_space<vmem>>, vector<128xf32>
    %reshape3A_234 = vector.shape_cast %get3A_233 : vector<128xf32> to vector<128x1xf32>
    %add3A_235 = vector.broadcast %reshape3A_234 : vector<128x1xf32> to vector<128x1024xf32>
    %add3A_236 = arith.addf %mul3A_231, %add3A_235 : vector<128x1024xf32>
    %add3A_237 = arith.constant 0.000000e+00 : f32
    %add3A_238 = vector.broadcast %add3A_237 : f32 to vector<128x1024xf32>
    %add3A_239 = arith.addf %add3A_236, %add3A_238 : vector<128x1024xf32>
    %reshape3A_240 = vector.shape_cast %add3A_239 : vector<128x1024xf32> to vector<131072xf32>
    %swap3A_241 = arith.constant 131072 : index
    %swap3A_242 = vector.load %arg20[%swap3A_241] : memref<1048576xf32, #tpu.memory_space<vmem>>, vector<131072xf32>
    tpu.vector_store %arg20[%swap3A_241], %reshape3A_240 {strides = array<i32>} : memref<1048576xf32, #tpu.memory_space<vmem>>, vector<131072xf32>,
    %dma_start3A_243 = arith.constant 131072 : i32
    %dma_start3A_244 = tpu.memref_slice %arg16[%dma_start3A_243] : memref<1048576xf32, #tpu.memory_space<hbm>> -> memref<131072xf32, #tpu.memory_space<hbm>>
    %dma_start3A_245 = arith.constant 131072 : i32
    %dma_start3A_246 = tpu.memref_slice %arg20[%dma_start3A_245] : memref<1048576xf32, #tpu.memory_space<vmem>> -> memref<131072xf32, #tpu.memory_space<vmem>>
    tpu.enqueue_dma source(%dma_start3A_246 : memref<131072xf32, #tpu.memory_space<vmem>>) target(%dma_start3A_244 : memref<131072xf32, #tpu.memory_space<hbm>>) target_semaphore(%arg23 : memref<!tpu.dma_semaphore, #tpu.memory_space<semaphore_mem>>)
    %get3A_247 = arith.constant 256 : index
    %get3A_248 = arith.constant 0 : index
    %get3A_249 = vector.load %arg2[%get3A_247, %get3A_248] : memref<1024x128xf32, #tpu.memory_space<vmem>>, vector<128x128xf32>
    %get3A_250 = arith.constant 0 : index
    %get3A_251 = arith.constant 0 : index
    %get3A_252 = vector.load %arg3[%get3A_250, %get3A_251] : memref<1024x128xf32, #tpu.memory_space<vmem>>, vector<1024x128xf32>
    %dot_general3A_253 = arith.constant dense<0.000000e+00> : vector<128x1024xf32>
    %dot_general3A_254 = tpu.matmul %get3A_249, %get3A_252, %dot_general3A_253 {dimension_numbers = #tpu.dot_dimension_numbers<[1], [1], [0], [0], [0, 0, 1, 0], [], []>, transpose_lhs_hint = false} : vector<128x128xf32>, vector<1024x128xf32>, vector<128x1024xf32> -> vector<128x1024xf32>
    %mul3A_255 = arith.constant 1.000000e+00 : f32
    %mul3A_256 = vector.broadcast %mul3A_255 : f32 to vector<128x1024xf32>
    %mul3A_257 = arith.mulf %mul3A_256, %dot_general3A_254 : vector<128x1024xf32>
    %get3A_258 = arith.constant 256 : index
    %get3A_259 = vector.load %arg7[%get3A_258] : memref<1024xf32, #tpu.memory_space<vmem>>, vector<128xf32>
    %reshape3A_260 = vector.shape_cast %get3A_259 : vector<128xf32> to vector<128x1xf32>
    %add3A_261 = vector.broadcast %reshape3A_260 : vector<128x1xf32> to vector<128x1024xf32>
    %add3A_262 = arith.addf %mul3A_257, %add3A_261 : vector<128x1024xf32>
    %add3A_263 = arith.constant 0.000000e+00 : f32
    %add3A_264 = vector.broadcast %add3A_263 : f32 to vector<128x1024xf32>
    %add3A_265 = arith.addf %add3A_262, %add3A_264 : vector<128x1024xf32>
    %reshape3A_266 = vector.shape_cast %add3A_265 : vector<128x1024xf32> to vector<131072xf32>
    %swap3A_267 = arith.constant 262144 : index
    %swap3A_268 = vector.load %arg20[%swap3A_267] : memref<1048576xf32, #tpu.memory_space<vmem>>, vector<131072xf32>
    tpu.vector_store %arg20[%swap3A_267], %reshape3A_266 {strides = array<i32>} : memref<1048576xf32, #tpu.memory_space<vmem>>, vector<131072xf32>,
    %dma_start3A_269 = arith.constant 262144 : i32
    %dma_start3A_270 = tpu.memref_slice %arg16[%dma_start3A_269] : memref<1048576xf32, #tpu.memory_space<hbm>> -> memref<131072xf32, #tpu.memory_space<hbm>>
    %dma_start3A_271 = arith.constant 262144 : i32
    %dma_start3A_272 = tpu.memref_slice %arg20[%dma_start3A_271] : memref<1048576xf32, #tpu.memory_space<vmem>> -> memref<131072xf32, #tpu.memory_space<vmem>>
    tpu.enqueue_dma source(%dma_start3A_272 : memref<131072xf32, #tpu.memory_space<vmem>>) target(%dma_start3A_270 : memref<131072xf32, #tpu.memory_space<hbm>>) target_semaphore(%arg23 : memref<!tpu.dma_semaphore, #tpu.memory_space<semaphore_mem>>)
    %get3A_273 = arith.constant 384 : index
    %get3A_274 = arith.constant 0 : index
    %get3A_275 = vector.load %arg2[%get3A_273, %get3A_274] : memref<1024x128xf32, #tpu.memory_space<vmem>>, vector<128x128xf32>
    %get3A_276 = arith.constant 0 : index
    %get3A_277 = arith.constant 0 : index
    %get3A_278 = vector.load %arg3[%get3A_276, %get3A_277] : memref<1024x128xf32, #tpu.memory_space<vmem>>, vector<1024x128xf32>
    %dot_general3A_279 = arith.constant dense<0.000000e+00> : vector<128x1024xf32>
    %dot_general3A_280 = tpu.matmul %get3A_275, %get3A_278, %dot_general3A_279 {dimension_numbers = #tpu.dot_dimension_numbers<[1], [1], [0], [0], [0, 0, 1, 0], [], []>, transpose_lhs_hint = false} : vector<128x128xf32>, vector<1024x128xf32>, vector<128x1024xf32> -> vector<128x1024xf32>
    %mul3A_281 = arith.constant 1.000000e+00 : f32
    %mul3A_282 = vector.broadcast %mul3A_281 : f32 to vector<128x1024xf32>
    %mul3A_283 = arith.mulf %mul3A_282, %dot_general3A_280 : vector<128x1024xf32>
    %get3A_284 = arith.constant 384 : index
    %get3A_285 = vector.load %arg7[%get3A_284] : memref<1024xf32, #tpu.memory_space<vmem>>, vector<128xf32>
    %reshape3A_286 = vector.shape_cast %get3A_285 : vector<128xf32> to vector<128x1xf32>
    %add3A_287 = vector.broadcast %reshape3A_286 : vector<128x1xf32> to vector<128x1024xf32>
    %add3A_288 = arith.addf %mul3A_283, %add3A_287 : vector<128x1024xf32>
    %add3A_289 = arith.constant 0.000000e+00 : f32
    %add3A_290 = vector.broadcast %add3A_289 : f32 to vector<128x1024xf32>
    %add3A_291 = arith.addf %add3A_288, %add3A_290 : vector<128x1024xf32>
    %reshape3A_292 = vector.shape_cast %add3A_291 : vector<128x1024xf32> to vector<131072xf32>
    %swap3A_293 = arith.constant 393216 : index
    %swap3A_294 = vector.load %arg20[%swap3A_293] : memref<1048576xf32, #tpu.memory_space<vmem>>, vector<131072xf32>
    tpu.vector_store %arg20[%swap3A_293], %reshape3A_292 {strides = array<i32>} : memref<1048576xf32, #tpu.memory_space<vmem>>, vector<131072xf32>,
    %dma_start3A_295 = arith.constant 393216 : i32
    %dma_start3A_296 = tpu.memref_slice %arg16[%dma_start3A_295] : memref<1048576xf32, #tpu.memory_space<hbm>> -> memref<131072xf32, #tpu.memory_space<hbm>>
    %dma_start3A_297 = arith.constant 393216 : i32
    %dma_start3A_298 = tpu.memref_slice %arg20[%dma_start3A_297] : memref<1048576xf32, #tpu.memory_space<vmem>> -> memref<131072xf32, #tpu.memory_space<vmem>>
    tpu.enqueue_dma source(%dma_start3A_298 : memref<131072xf32, #tpu.memory_space<vmem>>) target(%dma_start3A_296 : memref<131072xf32, #tpu.memory_space<hbm>>) target_semaphore(%arg23 : memref<!tpu.dma_semaphore, #tpu.memory_space<semaphore_mem>>)
    %get3A_299 = arith.constant 512 : index
    %get3A_300 = arith.constant 0 : index
    %get3A_301 = vector.load %arg2[%get3A_299, %get3A_300] : memref<1024x128xf32, #tpu.memory_space<vmem>>, vector<128x128xf32>
    %get3A_302 = arith.constant 0 : index
    %get3A_303 = arith.constant 0 : index
    %get3A_304 = vector.load %arg3[%get3A_302, %get3A_303] : memref<1024x128xf32, #tpu.memory_space<vmem>>, vector<1024x128xf32>
    %dot_general3A_305 = arith.constant dense<0.000000e+00> : vector<128x1024xf32>
    %dot_general3A_306 = tpu.matmul %get3A_301, %get3A_304, %dot_general3A_305 {dimension_numbers = #tpu.dot_dimension_numbers<[1], [1], [0], [0], [0, 0, 1, 0], [], []>, transpose_lhs_hint = false} : vector<128x128xf32>, vector<1024x128xf32>, vector<128x1024xf32> -> vector<128x1024xf32>
    %mul3A_307 = arith.constant 1.000000e+00 : f32
    %mul3A_308 = vector.broadcast %mul3A_307 : f32 to vector<128x1024xf32>
    %mul3A_309 = arith.mulf %mul3A_308, %dot_general3A_306 : vector<128x1024xf32>
    %get3A_310 = arith.constant 512 : index
    %get3A_311 = vector.load %arg7[%get3A_310] : memref<1024xf32, #tpu.memory_space<vmem>>, vector<128xf32>
    %reshape3A_312 = vector.shape_cast %get3A_311 : vector<128xf32> to vector<128x1xf32>
    %add3A_313 = vector.broadcast %reshape3A_312 : vector<128x1xf32> to vector<128x1024xf32>
    %add3A_314 = arith.addf %mul3A_309, %add3A_313 : vector<128x1024xf32>
    %add3A_315 = arith.constant 0.000000e+00 : f32
    %add3A_316 = vector.broadcast %add3A_315 : f32 to vector<128x1024xf32>
    %add3A_317 = arith.addf %add3A_314, %add3A_316 : vector<128x1024xf32>
    %reshape3A_318 = vector.shape_cast %add3A_317 : vector<128x1024xf32> to vector<131072xf32>
    %swap3A_319 = arith.constant 524288 : index
    %swap3A_320 = vector.load %arg20[%swap3A_319] : memref<1048576xf32, #tpu.memory_space<vmem>>, vector<131072xf32>
    tpu.vector_store %arg20[%swap3A_319], %reshape3A_318 {strides = array<i32>} : memref<1048576xf32, #tpu.memory_space<vmem>>, vector<131072xf32>,
    %dma_start3A_321 = arith.constant 524288 : i32
    %dma_start3A_322 = tpu.memref_slice %arg16[%dma_start3A_321] : memref<1048576xf32, #tpu.memory_space<hbm>> -> memref<131072xf32, #tpu.memory_space<hbm>>
    %dma_start3A_323 = arith.constant 524288 : i32
    %dma_start3A_324 = tpu.memref_slice %arg20[%dma_start3A_323] : memref<1048576xf32, #tpu.memory_space<vmem>> -> memref<131072xf32, #tpu.memory_space<vmem>>
    tpu.enqueue_dma source(%dma_start3A_324 : memref<131072xf32, #tpu.memory_space<vmem>>) target(%dma_start3A_322 : memref<131072xf32, #tpu.memory_space<hbm>>) target_semaphore(%arg23 : memref<!tpu.dma_semaphore, #tpu.memory_space<semaphore_mem>>)
    %get3A_325 = arith.constant 640 : index
    %get3A_326 = arith.constant 0 : index
    %get3A_327 = vector.load %arg2[%get3A_325, %get3A_326] : memref<1024x128xf32, #tpu.memory_space<vmem>>, vector<128x128xf32>
    %get3A_328 = arith.constant 0 : index
    %get3A_329 = arith.constant 0 : index
    %get3A_330 = vector.load %arg3[%get3A_328, %get3A_329] : memref<1024x128xf32, #tpu.memory_space<vmem>>, vector<1024x128xf32>
    %dot_general3A_331 = arith.constant dense<0.000000e+00> : vector<128x1024xf32>
    %dot_general3A_332 = tpu.matmul %get3A_327, %get3A_330, %dot_general3A_331 {dimension_numbers = #tpu.dot_dimension_numbers<[1], [1], [0], [0], [0, 0, 1, 0], [], []>, transpose_lhs_hint = false} : vector<128x128xf32>, vector<1024x128xf32>, vector<128x1024xf32> -> vector<128x1024xf32>
    %mul3A_333 = arith.constant 1.000000e+00 : f32
    %mul3A_334 = vector.broadcast %mul3A_333 : f32 to vector<128x1024xf32>
    %mul3A_335 = arith.mulf %mul3A_334, %dot_general3A_332 : vector<128x1024xf32>
    %get3A_336 = arith.constant 640 : index
    %get3A_337 = vector.load %arg7[%get3A_336] : memref<1024xf32, #tpu.memory_space<vmem>>, vector<128xf32>
    %reshape3A_338 = vector.shape_cast %get3A_337 : vector<128xf32> to vector<128x1xf32>
    %add3A_339 = vector.broadcast %reshape3A_338 : vector<128x1xf32> to vector<128x1024xf32>
    %add3A_340 = arith.addf %mul3A_335, %add3A_339 : vector<128x1024xf32>
    %add3A_341 = arith.constant 0.000000e+00 : f32
    %add3A_342 = vector.broadcast %add3A_341 : f32 to vector<128x1024xf32>
    %add3A_343 = arith.addf %add3A_340, %add3A_342 : vector<128x1024xf32>
    %reshape3A_344 = vector.shape_cast %add3A_343 : vector<128x1024xf32> to vector<131072xf32>
    %swap3A_345 = arith.constant 655360 : index
    %swap3A_346 = vector.load %arg20[%swap3A_345] : memref<1048576xf32, #tpu.memory_space<vmem>>, vector<131072xf32>
    tpu.vector_store %arg20[%swap3A_345], %reshape3A_344 {strides = array<i32>} : memref<1048576xf32, #tpu.memory_space<vmem>>, vector<131072xf32>,
    %dma_start3A_347 = arith.constant 655360 : i32
    %dma_start3A_348 = tpu.memref_slice %arg16[%dma_start3A_347] : memref<1048576xf32, #tpu.memory_space<hbm>> -> memref<131072xf32, #tpu.memory_space<hbm>>
    %dma_start3A_349 = arith.constant 655360 : i32
    %dma_start3A_350 = tpu.memref_slice %arg20[%dma_start3A_349] : memref<1048576xf32, #tpu.memory_space<vmem>> -> memref<131072xf32, #tpu.memory_space<vmem>>
    tpu.enqueue_dma source(%dma_start3A_350 : memref<131072xf32, #tpu.memory_space<vmem>>) target(%dma_start3A_348 : memref<131072xf32, #tpu.memory_space<hbm>>) target_semaphore(%arg23 : memref<!tpu.dma_semaphore, #tpu.memory_space<semaphore_mem>>)
    %get3A_351 = arith.constant 768 : index
    %get3A_352 = arith.constant 0 : index
    %get3A_353 = vector.load %arg2[%get3A_351, %get3A_352] : memref<1024x128xf32, #tpu.memory_space<vmem>>, vector<128x128xf32>
    %get3A_354 = arith.constant 0 : index
    %get3A_355 = arith.constant 0 : index
    %get3A_356 = vector.load %arg3[%get3A_354, %get3A_355] : memref<1024x128xf32, #tpu.memory_space<vmem>>, vector<1024x128xf32>
    %dot_general3A_357 = arith.constant dense<0.000000e+00> : vector<128x1024xf32>
    %dot_general3A_358 = tpu.matmul %get3A_353, %get3A_356, %dot_general3A_357 {dimension_numbers = #tpu.dot_dimension_numbers<[1], [1], [0], [0], [0, 0, 1, 0], [], []>, transpose_lhs_hint = false} : vector<128x128xf32>, vector<1024x128xf32>, vector<128x1024xf32> -> vector<128x1024xf32>
    %mul3A_359 = arith.constant 1.000000e+00 : f32
    %mul3A_360 = vector.broadcast %mul3A_359 : f32 to vector<128x1024xf32>
    %mul3A_361 = arith.mulf %mul3A_360, %dot_general3A_358 : vector<128x1024xf32>
    %get3A_362 = arith.constant 768 : index
    %get3A_363 = vector.load %arg7[%get3A_362] : memref<1024xf32, #tpu.memory_space<vmem>>, vector<128xf32>
    %reshape3A_364 = vector.shape_cast %get3A_363 : vector<128xf32> to vector<128x1xf32>
    %add3A_365 = vector.broadcast %reshape3A_364 : vector<128x1xf32> to vector<128x1024xf32>
    %add3A_366 = arith.addf %mul3A_361, %add3A_365 : vector<128x1024xf32>
    %add3A_367 = arith.constant 0.000000e+00 : f32
    %add3A_368 = vector.broadcast %add3A_367 : f32 to vector<128x1024xf32>
    %add3A_369 = arith.addf %add3A_366, %add3A_368 : vector<128x1024xf32>
    %reshape3A_370 = vector.shape_cast %add3A_369 : vector<128x1024xf32> to vector<131072xf32>
    %swap3A_371 = arith.constant 786432 : index
    %swap3A_372 = vector.load %arg20[%swap3A_371] : memref<1048576xf32, #tpu.memory_space<vmem>>, vector<131072xf32>
    tpu.vector_store %arg20[%swap3A_371], %reshape3A_370 {strides = array<i32>} : memref<1048576xf32, #tpu.memory_space<vmem>>, vector<131072xf32>,
    %dma_start3A_373 = arith.constant 786432 : i32
    %dma_start3A_374 = tpu.memref_slice %arg16[%dma_start3A_373] : memref<1048576xf32, #tpu.memory_space<hbm>> -> memref<131072xf32, #tpu.memory_space<hbm>>
    %dma_start3A_375 = arith.constant 786432 : i32
    %dma_start3A_376 = tpu.memref_slice %arg20[%dma_start3A_375] : memref<1048576xf32, #tpu.memory_space<vmem>> -> memref<131072xf32, #tpu.memory_space<vmem>>
    tpu.enqueue_dma source(%dma_start3A_376 : memref<131072xf32, #tpu.memory_space<vmem>>) target(%dma_start3A_374 : memref<131072xf32, #tpu.memory_space<hbm>>) target_semaphore(%arg23 : memref<!tpu.dma_semaphore, #tpu.memory_space<semaphore_mem>>)
    %get3A_377 = arith.constant 896 : index
    %get3A_378 = arith.constant 0 : index
    %get3A_379 = vector.load %arg2[%get3A_377, %get3A_378] : memref<1024x128xf32, #tpu.memory_space<vmem>>, vector<128x128xf32>
    %get3A_380 = arith.constant 0 : index
    %get3A_381 = arith.constant 0 : index
    %get3A_382 = vector.load %arg3[%get3A_380, %get3A_381] : memref<1024x128xf32, #tpu.memory_space<vmem>>, vector<1024x128xf32>
    %dot_general3A_383 = arith.constant dense<0.000000e+00> : vector<128x1024xf32>
    %dot_general3A_384 = tpu.matmul %get3A_379, %get3A_382, %dot_general3A_383 {dimension_numbers = #tpu.dot_dimension_numbers<[1], [1], [0], [0], [0, 0, 1, 0], [], []>, transpose_lhs_hint = false} : vector<128x128xf32>, vector<1024x128xf32>, vector<128x1024xf32> -> vector<128x1024xf32>
    %mul3A_385 = arith.constant 1.000000e+00 : f32
    %mul3A_386 = vector.broadcast %mul3A_385 : f32 to vector<128x1024xf32>
    %mul3A_387 = arith.mulf %mul3A_386, %dot_general3A_384 : vector<128x1024xf32>
    %get3A_388 = arith.constant 896 : index
    %get3A_389 = vector.load %arg7[%get3A_388] : memref<1024xf32, #tpu.memory_space<vmem>>, vector<128xf32>
    %reshape3A_390 = vector.shape_cast %get3A_389 : vector<128xf32> to vector<128x1xf32>
    %add3A_391 = vector.broadcast %reshape3A_390 : vector<128x1xf32> to vector<128x1024xf32>
    %add3A_392 = arith.addf %mul3A_387, %add3A_391 : vector<128x1024xf32>
    %add3A_393 = arith.constant 0.000000e+00 : f32
    %add3A_394 = vector.broadcast %add3A_393 : f32 to vector<128x1024xf32>
    %add3A_395 = arith.addf %add3A_392, %add3A_394 : vector<128x1024xf32>
    %reshape3A_396 = vector.shape_cast %add3A_395 : vector<128x1024xf32> to vector<131072xf32>
    %swap3A_397 = arith.constant 917504 : index
    %swap3A_398 = vector.load %arg20[%swap3A_397] : memref<1048576xf32, #tpu.memory_space<vmem>>, vector<131072xf32>
    tpu.vector_store %arg20[%swap3A_397], %reshape3A_396 {strides = array<i32>} : memref<1048576xf32, #tpu.memory_space<vmem>>, vector<131072xf32>,
    %dma_start3A_399 = arith.constant 917504 : i32
    %dma_start3A_400 = tpu.memref_slice %arg16[%dma_start3A_399] : memref<1048576xf32, #tpu.memory_space<hbm>> -> memref<131072xf32, #tpu.memory_space<hbm>>
    %dma_start3A_401 = arith.constant 917504 : i32
    %dma_start3A_402 = tpu.memref_slice %arg20[%dma_start3A_401] : memref<1048576xf32, #tpu.memory_space<vmem>> -> memref<131072xf32, #tpu.memory_space<vmem>>
    tpu.enqueue_dma source(%dma_start3A_402 : memref<131072xf32, #tpu.memory_space<vmem>>) target(%dma_start3A_400 : memref<131072xf32, #tpu.memory_space<hbm>>) target_semaphore(%arg23 : memref<!tpu.dma_semaphore, #tpu.memory_space<semaphore_mem>>)
    %get3A_403 = arith.constant 0 : index
    %get3A_404 = arith.constant 0 : index
    %get3A_405 = vector.load %arg5[%get3A_403, %get3A_404] : memref<1024x128xf32, #tpu.memory_space<vmem>>, vector<128x128xf32>
    %get3A_406 = arith.constant 0 : index
    %get3A_407 = arith.constant 0 : index
    %get3A_408 = vector.load %arg4[%get3A_406, %get3A_407] : memref<1024x128xf32, #tpu.memory_space<vmem>>, vector<1024x128xf32>
    %dot_general3A_409 = arith.constant dense<0.000000e+00> : vector<128x1024xf32>
    %dot_general3A_410 = tpu.matmul %get3A_405, %get3A_408, %dot_general3A_409 {dimension_numbers = #tpu.dot_dimension_numbers<[1], [1], [0], [0], [0, 0, 1, 0], [], []>, transpose_lhs_hint = false} : vector<128x128xf32>, vector<1024x128xf32>, vector<128x1024xf32> -> vector<128x1024xf32>
    %mul3A_411 = arith.constant 1.000000e+00 : f32
    %mul3A_412 = vector.broadcast %mul3A_411 : f32 to vector<128x1024xf32>
    %mul3A_413 = arith.mulf %mul3A_412, %dot_general3A_410 : vector<128x1024xf32>
    %get3A_414 = arith.constant 0 : index
    %get3A_415 = vector.load %arg8[%get3A_414] : memref<1024xf32, #tpu.memory_space<vmem>>, vector<128xf32>
    %reshape3A_416 = vector.shape_cast %get3A_415 : vector<128xf32> to vector<128x1xf32>
    %add3A_417 = vector.broadcast %reshape3A_416 : vector<128x1xf32> to vector<128x1024xf32>
    %add3A_418 = arith.addf %mul3A_413, %add3A_417 : vector<128x1024xf32>
    %add3A_419 = arith.constant 0.000000e+00 : f32
    %add3A_420 = vector.broadcast %add3A_419 : f32 to vector<128x1024xf32>
    %add3A_421 = arith.addf %add3A_418, %add3A_420 : vector<128x1024xf32>
    %reshape3A_422 = vector.shape_cast %add3A_421 : vector<128x1024xf32> to vector<131072xf32>
    %swap3A_423 = arith.constant 0 : index
    %swap3A_424 = vector.load %arg21[%swap3A_423] : memref<1048576xf32, #tpu.memory_space<vmem>>, vector<131072xf32>
    tpu.vector_store %arg21[%swap3A_423], %reshape3A_422 {strides = array<i32>} : memref<1048576xf32, #tpu.memory_space<vmem>>, vector<131072xf32>,
    %dma_start3A_425 = arith.constant 0 : i32
    %dma_start3A_426 = tpu.memref_slice %arg17[%dma_start3A_425] : memref<1048576xf32, #tpu.memory_space<hbm>> -> memref<131072xf32, #tpu.memory_space<hbm>>
    %dma_start3A_427 = arith.constant 0 : i32
    %dma_start3A_428 = tpu.memref_slice %arg21[%dma_start3A_427] : memref<1048576xf32, #tpu.memory_space<vmem>> -> memref<131072xf32, #tpu.memory_space<vmem>>
    tpu.enqueue_dma source(%dma_start3A_428 : memref<131072xf32, #tpu.memory_space<vmem>>) target(%dma_start3A_426 : memref<131072xf32, #tpu.memory_space<hbm>>) target_semaphore(%arg23 : memref<!tpu.dma_semaphore, #tpu.memory_space<semaphore_mem>>)
    %get3A_429 = arith.constant 128 : index
    %get3A_430 = arith.constant 0 : index
    %get3A_431 = vector.load %arg5[%get3A_429, %get3A_430] : memref<1024x128xf32, #tpu.memory_space<vmem>>, vector<128x128xf32>
    %get3A_432 = arith.constant 0 : index
    %get3A_433 = arith.constant 0 : index
    %get3A_434 = vector.load %arg4[%get3A_432, %get3A_433] : memref<1024x128xf32, #tpu.memory_space<vmem>>, vector<1024x128xf32>
    %dot_general3A_435 = arith.constant dense<0.000000e+00> : vector<128x1024xf32>
    %dot_general3A_436 = tpu.matmul %get3A_431, %get3A_434, %dot_general3A_435 {dimension_numbers = #tpu.dot_dimension_numbers<[1], [1], [0], [0], [0, 0, 1, 0], [], []>, transpose_lhs_hint = false} : vector<128x128xf32>, vector<1024x128xf32>, vector<128x1024xf32> -> vector<128x1024xf32>
    %mul3A_437 = arith.constant 1.000000e+00 : f32
    %mul3A_438 = vector.broadcast %mul3A_437 : f32 to vector<128x1024xf32>
    %mul3A_439 = arith.mulf %mul3A_438, %dot_general3A_436 : vector<128x1024xf32>
    %get3A_440 = arith.constant 128 : index
    %get3A_441 = vector.load %arg8[%get3A_440] : memref<1024xf32, #tpu.memory_space<vmem>>, vector<128xf32>
    %reshape3A_442 = vector.shape_cast %get3A_441 : vector<128xf32> to vector<128x1xf32>
    %add3A_443 = vector.broadcast %reshape3A_442 : vector<128x1xf32> to vector<128x1024xf32>
    %add3A_444 = arith.addf %mul3A_439, %add3A_443 : vector<128x1024xf32>
    %add3A_445 = arith.constant 0.000000e+00 : f32
    %add3A_446 = vector.broadcast %add3A_445 : f32 to vector<128x1024xf32>
    %add3A_447 = arith.addf %add3A_444, %add3A_446 : vector<128x1024xf32>
    %reshape3A_448 = vector.shape_cast %add3A_447 : vector<128x1024xf32> to vector<131072xf32>
    %swap3A_449 = arith.constant 131072 : index
    %swap3A_450 = vector.load %arg21[%swap3A_449] : memref<1048576xf32, #tpu.memory_space<vmem>>, vector<131072xf32>
    tpu.vector_store %arg21[%swap3A_449], %reshape3A_448 {strides = array<i32>} : memref<1048576xf32, #tpu.memory_space<vmem>>, vector<131072xf32>,
    %dma_start3A_451 = arith.constant 131072 : i32
    %dma_start3A_452 = tpu.memref_slice %arg17[%dma_start3A_451] : memref<1048576xf32, #tpu.memory_space<hbm>> -> memref<131072xf32, #tpu.memory_space<hbm>>
    %dma_start3A_453 = arith.constant 131072 : i32
    %dma_start3A_454 = tpu.memref_slice %arg21[%dma_start3A_453] : memref<1048576xf32, #tpu.memory_space<vmem>> -> memref<131072xf32, #tpu.memory_space<vmem>>
    tpu.enqueue_dma source(%dma_start3A_454 : memref<131072xf32, #tpu.memory_space<vmem>>) target(%dma_start3A_452 : memref<131072xf32, #tpu.memory_space<hbm>>) target_semaphore(%arg23 : memref<!tpu.dma_semaphore, #tpu.memory_space<semaphore_mem>>)
    %get3A_455 = arith.constant 256 : index
    %get3A_456 = arith.constant 0 : index
    %get3A_457 = vector.load %arg5[%get3A_455, %get3A_456] : memref<1024x128xf32, #tpu.memory_space<vmem>>, vector<128x128xf32>
    %get3A_458 = arith.constant 0 : index
    %get3A_459 = arith.constant 0 : index
    %get3A_460 = vector.load %arg4[%get3A_458, %get3A_459] : memref<1024x128xf32, #tpu.memory_space<vmem>>, vector<1024x128xf32>
    %dot_general3A_461 = arith.constant dense<0.000000e+00> : vector<128x1024xf32>
    %dot_general3A_462 = tpu.matmul %get3A_457, %get3A_460, %dot_general3A_461 {dimension_numbers = #tpu.dot_dimension_numbers<[1], [1], [0], [0], [0, 0, 1, 0], [], []>, transpose_lhs_hint = false} : vector<128x128xf32>, vector<1024x128xf32>, vector<128x1024xf32> -> vector<128x1024xf32>
    %mul3A_463 = arith.constant 1.000000e+00 : f32
    %mul3A_464 = vector.broadcast %mul3A_463 : f32 to vector<128x1024xf32>
    %mul3A_465 = arith.mulf %mul3A_464, %dot_general3A_462 : vector<128x1024xf32>
    %get3A_466 = arith.constant 256 : index
    %get3A_467 = vector.load %arg8[%get3A_466] : memref<1024xf32, #tpu.memory_space<vmem>>, vector<128xf32>
    %reshape3A_468 = vector.shape_cast %get3A_467 : vector<128xf32> to vector<128x1xf32>
    %add3A_469 = vector.broadcast %reshape3A_468 : vector<128x1xf32> to vector<128x1024xf32>
    %add3A_470 = arith.addf %mul3A_465, %add3A_469 : vector<128x1024xf32>
    %add3A_471 = arith.constant 0.000000e+00 : f32
    %add3A_472 = vector.broadcast %add3A_471 : f32 to vector<128x1024xf32>
    %add3A_473 = arith.addf %add3A_470, %add3A_472 : vector<128x1024xf32>
    %reshape3A_474 = vector.shape_cast %add3A_473 : vector<128x1024xf32> to vector<131072xf32>
    %swap3A_475 = arith.constant 262144 : index
    %swap3A_476 = vector.load %arg21[%swap3A_475] : memref<1048576xf32, #tpu.memory_space<vmem>>, vector<131072xf32>
    tpu.vector_store %arg21[%swap3A_475], %reshape3A_474 {strides = array<i32>} : memref<1048576xf32, #tpu.memory_space<vmem>>, vector<131072xf32>,
    %dma_start3A_477 = arith.constant 262144 : i32
    %dma_start3A_478 = tpu.memref_slice %arg17[%dma_start3A_477] : memref<1048576xf32, #tpu.memory_space<hbm>> -> memref<131072xf32, #tpu.memory_space<hbm>>
    %dma_start3A_479 = arith.constant 262144 : i32
    %dma_start3A_480 = tpu.memref_slice %arg21[%dma_start3A_479] : memref<1048576xf32, #tpu.memory_space<vmem>> -> memref<131072xf32, #tpu.memory_space<vmem>>
    tpu.enqueue_dma source(%dma_start3A_480 : memref<131072xf32, #tpu.memory_space<vmem>>) target(%dma_start3A_478 : memref<131072xf32, #tpu.memory_space<hbm>>) target_semaphore(%arg23 : memref<!tpu.dma_semaphore, #tpu.memory_space<semaphore_mem>>)
    %get3A_481 = arith.constant 384 : index
    %get3A_482 = arith.constant 0 : index
    %get3A_483 = vector.load %arg5[%get3A_481, %get3A_482] : memref<1024x128xf32, #tpu.memory_space<vmem>>, vector<128x128xf32>
    %get3A_484 = arith.constant 0 : index
    %get3A_485 = arith.constant 0 : index
    %get3A_486 = vector.load %arg4[%get3A_484, %get3A_485] : memref<1024x128xf32, #tpu.memory_space<vmem>>, vector<1024x128xf32>
    %dot_general3A_487 = arith.constant dense<0.000000e+00> : vector<128x1024xf32>
    %dot_general3A_488 = tpu.matmul %get3A_483, %get3A_486, %dot_general3A_487 {dimension_numbers = #tpu.dot_dimension_numbers<[1], [1], [0], [0], [0, 0, 1, 0], [], []>, transpose_lhs_hint = false} : vector<128x128xf32>, vector<1024x128xf32>, vector<128x1024xf32> -> vector<128x1024xf32>
    %mul3A_489 = arith.constant 1.000000e+00 : f32
    %mul3A_490 = vector.broadcast %mul3A_489 : f32 to vector<128x1024xf32>
    %mul3A_491 = arith.mulf %mul3A_490, %dot_general3A_488 : vector<128x1024xf32>
    %get3A_492 = arith.constant 384 : index
    %get3A_493 = vector.load %arg8[%get3A_492] : memref<1024xf32, #tpu.memory_space<vmem>>, vector<128xf32>
    %reshape3A_494 = vector.shape_cast %get3A_493 : vector<128xf32> to vector<128x1xf32>
    %add3A_495 = vector.broadcast %reshape3A_494 : vector<128x1xf32> to vector<128x1024xf32>
    %add3A_496 = arith.addf %mul3A_491, %add3A_495 : vector<128x1024xf32>
    %add3A_497 = arith.constant 0.000000e+00 : f32
    %add3A_498 = vector.broadcast %add3A_497 : f32 to vector<128x1024xf32>
    %add3A_499 = arith.addf %add3A_496, %add3A_498 : vector<128x1024xf32>
    %reshape3A_500 = vector.shape_cast %add3A_499 : vector<128x1024xf32> to vector<131072xf32>
    %swap3A_501 = arith.constant 393216 : index
    %swap3A_502 = vector.load %arg21[%swap3A_501] : memref<1048576xf32, #tpu.memory_space<vmem>>, vector<131072xf32>
    tpu.vector_store %arg21[%swap3A_501], %reshape3A_500 {strides = array<i32>} : memref<1048576xf32, #tpu.memory_space<vmem>>, vector<131072xf32>,
    %dma_start3A_503 = arith.constant 393216 : i32
    %dma_start3A_504 = tpu.memref_slice %arg17[%dma_start3A_503] : memref<1048576xf32, #tpu.memory_space<hbm>> -> memref<131072xf32, #tpu.memory_space<hbm>>
    %dma_start3A_505 = arith.constant 393216 : i32
    %dma_start3A_506 = tpu.memref_slice %arg21[%dma_start3A_505] : memref<1048576xf32, #tpu.memory_space<vmem>> -> memref<131072xf32, #tpu.memory_space<vmem>>
    tpu.enqueue_dma source(%dma_start3A_506 : memref<131072xf32, #tpu.memory_space<vmem>>) target(%dma_start3A_504 : memref<131072xf32, #tpu.memory_space<hbm>>) target_semaphore(%arg23 : memref<!tpu.dma_semaphore, #tpu.memory_space<semaphore_mem>>)
    %get3A_507 = arith.constant 512 : index
    %get3A_508 = arith.constant 0 : index
    %get3A_509 = vector.load %arg5[%get3A_507, %get3A_508] : memref<1024x128xf32, #tpu.memory_space<vmem>>, vector<128x128xf32>
    %get3A_510 = arith.constant 0 : index
    %get3A_511 = arith.constant 0 : index
    %get3A_512 = vector.load %arg4[%get3A_510, %get3A_511] : memref<1024x128xf32, #tpu.memory_space<vmem>>, vector<1024x128xf32>
    %dot_general3A_513 = arith.constant dense<0.000000e+00> : vector<128x1024xf32>
    %dot_general3A_514 = tpu.matmul %get3A_509, %get3A_512, %dot_general3A_513 {dimension_numbers = #tpu.dot_dimension_numbers<[1], [1], [0], [0], [0, 0, 1, 0], [], []>, transpose_lhs_hint = false} : vector<128x128xf32>, vector<1024x128xf32>, vector<128x1024xf32> -> vector<128x1024xf32>
    %mul3A_515 = arith.constant 1.000000e+00 : f32
    %mul3A_516 = vector.broadcast %mul3A_515 : f32 to vector<128x1024xf32>
    %mul3A_517 = arith.mulf %mul3A_516, %dot_general3A_514 : vector<128x1024xf32>
    %get3A_518 = arith.constant 512 : index
    %get3A_519 = vector.load %arg8[%get3A_518] : memref<1024xf32, #tpu.memory_space<vmem>>, vector<128xf32>
    %reshape3A_520 = vector.shape_cast %get3A_519 : vector<128xf32> to vector<128x1xf32>
    %add3A_521 = vector.broadcast %reshape3A_520 : vector<128x1xf32> to vector<128x1024xf32>
    %add3A_522 = arith.addf %mul3A_517, %add3A_521 : vector<128x1024xf32>
    %add3A_523 = arith.constant 0.000000e+00 : f32
    %add3A_524 = vector.broadcast %add3A_523 : f32 to vector<128x1024xf32>
    %add3A_525 = arith.addf %add3A_522, %add3A_524 : vector<128x1024xf32>
    %reshape3A_526 = vector.shape_cast %add3A_525 : vector<128x1024xf32> to vector<131072xf32>
    %swap3A_527 = arith.constant 524288 : index
    %swap3A_528 = vector.load %arg21[%swap3A_527] : memref<1048576xf32, #tpu.memory_space<vmem>>, vector<131072xf32>
    tpu.vector_store %arg21[%swap3A_527], %reshape3A_526 {strides = array<i32>} : memref<1048576xf32, #tpu.memory_space<vmem>>, vector<131072xf32>,
    %dma_start3A_529 = arith.constant 524288 : i32
    %dma_start3A_530 = tpu.memref_slice %arg17[%dma_start3A_529] : memref<1048576xf32, #tpu.memory_space<hbm>> -> memref<131072xf32, #tpu.memory_space<hbm>>
    %dma_start3A_531 = arith.constant 524288 : i32
    %dma_start3A_532 = tpu.memref_slice %arg21[%dma_start3A_531] : memref<1048576xf32, #tpu.memory_space<vmem>> -> memref<131072xf32, #tpu.memory_space<vmem>>
    tpu.enqueue_dma source(%dma_start3A_532 : memref<131072xf32, #tpu.memory_space<vmem>>) target(%dma_start3A_530 : memref<131072xf32, #tpu.memory_space<hbm>>) target_semaphore(%arg23 : memref<!tpu.dma_semaphore, #tpu.memory_space<semaphore_mem>>)
    %get3A_533 = arith.constant 640 : index
    %get3A_534 = arith.constant 0 : index
    %get3A_535 = vector.load %arg5[%get3A_533, %get3A_534] : memref<1024x128xf32, #tpu.memory_space<vmem>>, vector<128x128xf32>
    %get3A_536 = arith.constant 0 : index
    %get3A_537 = arith.constant 0 : index
    %get3A_538 = vector.load %arg4[%get3A_536, %get3A_537] : memref<1024x128xf32, #tpu.memory_space<vmem>>, vector<1024x128xf32>
    %dot_general3A_539 = arith.constant dense<0.000000e+00> : vector<128x1024xf32>
    %dot_general3A_540 = tpu.matmul %get3A_535, %get3A_538, %dot_general3A_539 {dimension_numbers = #tpu.dot_dimension_numbers<[1], [1], [0], [0], [0, 0, 1, 0], [], []>, transpose_lhs_hint = false} : vector<128x128xf32>, vector<1024x128xf32>, vector<128x1024xf32> -> vector<128x1024xf32>
    %mul3A_541 = arith.constant 1.000000e+00 : f32
    %mul3A_542 = vector.broadcast %mul3A_541 : f32 to vector<128x1024xf32>
    %mul3A_543 = arith.mulf %mul3A_542, %dot_general3A_540 : vector<128x1024xf32>
    %get3A_544 = arith.constant 640 : index
    %get3A_545 = vector.load %arg8[%get3A_544] : memref<1024xf32, #tpu.memory_space<vmem>>, vector<128xf32>
    %reshape3A_546 = vector.shape_cast %get3A_545 : vector<128xf32> to vector<128x1xf32>
    %add3A_547 = vector.broadcast %reshape3A_546 : vector<128x1xf32> to vector<128x1024xf32>
    %add3A_548 = arith.addf %mul3A_543, %add3A_547 : vector<128x1024xf32>
    %add3A_549 = arith.constant 0.000000e+00 : f32
    %add3A_550 = vector.broadcast %add3A_549 : f32 to vector<128x1024xf32>
    %add3A_551 = arith.addf %add3A_548, %add3A_550 : vector<128x1024xf32>
    %reshape3A_552 = vector.shape_cast %add3A_551 : vector<128x1024xf32> to vector<131072xf32>
    %swap3A_553 = arith.constant 655360 : index
    %swap3A_554 = vector.load %arg21[%swap3A_553] : memref<1048576xf32, #tpu.memory_space<vmem>>, vector<131072xf32>
    tpu.vector_store %arg21[%swap3A_553], %reshape3A_552 {strides = array<i32>} : memref<1048576xf32, #tpu.memory_space<vmem>>, vector<131072xf32>,
    %dma_start3A_555 = arith.constant 655360 : i32
    %dma_start3A_556 = tpu.memref_slice %arg17[%dma_start3A_555] : memref<1048576xf32, #tpu.memory_space<hbm>> -> memref<131072xf32, #tpu.memory_space<hbm>>
    %dma_start3A_557 = arith.constant 655360 : i32
    %dma_start3A_558 = tpu.memref_slice %arg21[%dma_start3A_557] : memref<1048576xf32, #tpu.memory_space<vmem>> -> memref<131072xf32, #tpu.memory_space<vmem>>
    tpu.enqueue_dma source(%dma_start3A_558 : memref<131072xf32, #tpu.memory_space<vmem>>) target(%dma_start3A_556 : memref<131072xf32, #tpu.memory_space<hbm>>) target_semaphore(%arg23 : memref<!tpu.dma_semaphore, #tpu.memory_space<semaphore_mem>>)
    %get3A_559 = arith.constant 768 : index
    %get3A_560 = arith.constant 0 : index
    %get3A_561 = vector.load %arg5[%get3A_559, %get3A_560] : memref<1024x128xf32, #tpu.memory_space<vmem>>, vector<128x128xf32>
    %get3A_562 = arith.constant 0 : index
    %get3A_563 = arith.constant 0 : index
    %get3A_564 = vector.load %arg4[%get3A_562, %get3A_563] : memref<1024x128xf32, #tpu.memory_space<vmem>>, vector<1024x128xf32>
    %dot_general3A_565 = arith.constant dense<0.000000e+00> : vector<128x1024xf32>
    %dot_general3A_566 = tpu.matmul %get3A_561, %get3A_564, %dot_general3A_565 {dimension_numbers = #tpu.dot_dimension_numbers<[1], [1], [0], [0], [0, 0, 1, 0], [], []>, transpose_lhs_hint = false} : vector<128x128xf32>, vector<1024x128xf32>, vector<128x1024xf32> -> vector<128x1024xf32>
    %mul3A_567 = arith.constant 1.000000e+00 : f32
    %mul3A_568 = vector.broadcast %mul3A_567 : f32 to vector<128x1024xf32>
    %mul3A_569 = arith.mulf %mul3A_568, %dot_general3A_566 : vector<128x1024xf32>
    %get3A_570 = arith.constant 768 : index
    %get3A_571 = vector.load %arg8[%get3A_570] : memref<1024xf32, #tpu.memory_space<vmem>>, vector<128xf32>
    %reshape3A_572 = vector.shape_cast %get3A_571 : vector<128xf32> to vector<128x1xf32>
    %add3A_573 = vector.broadcast %reshape3A_572 : vector<128x1xf32> to vector<128x1024xf32>
    %add3A_574 = arith.addf %mul3A_569, %add3A_573 : vector<128x1024xf32>
    %add3A_575 = arith.constant 0.000000e+00 : f32
    %add3A_576 = vector.broadcast %add3A_575 : f32 to vector<128x1024xf32>
    %add3A_577 = arith.addf %add3A_574, %add3A_576 : vector<128x1024xf32>
    %reshape3A_578 = vector.shape_cast %add3A_577 : vector<128x1024xf32> to vector<131072xf32>
    %swap3A_579 = arith.constant 786432 : index
    %swap3A_580 = vector.load %arg21[%swap3A_579] : memref<1048576xf32, #tpu.memory_space<vmem>>, vector<131072xf32>
    tpu.vector_store %arg21[%swap3A_579], %reshape3A_578 {strides = array<i32>} : memref<1048576xf32, #tpu.memory_space<vmem>>, vector<131072xf32>,
    %dma_start3A_581 = arith.constant 786432 : i32
    %dma_start3A_582 = tpu.memref_slice %arg17[%dma_start3A_581] : memref<1048576xf32, #tpu.memory_space<hbm>> -> memref<131072xf32, #tpu.memory_space<hbm>>
    %dma_start3A_583 = arith.constant 786432 : i32
    %dma_start3A_584 = tpu.memref_slice %arg21[%dma_start3A_583] : memref<1048576xf32, #tpu.memory_space<vmem>> -> memref<131072xf32, #tpu.memory_space<vmem>>
    tpu.enqueue_dma source(%dma_start3A_584 : memref<131072xf32, #tpu.memory_space<vmem>>) target(%dma_start3A_582 : memref<131072xf32, #tpu.memory_space<hbm>>) target_semaphore(%arg23 : memref<!tpu.dma_semaphore, #tpu.memory_space<semaphore_mem>>)
    %get3A_585 = arith.constant 896 : index
    %get3A_586 = arith.constant 0 : index
    %get3A_587 = vector.load %arg5[%get3A_585, %get3A_586] : memref<1024x128xf32, #tpu.memory_space<vmem>>, vector<128x128xf32>
    %get3A_588 = arith.constant 0 : index
    %get3A_589 = arith.constant 0 : index
    %get3A_590 = vector.load %arg4[%get3A_588, %get3A_589] : memref<1024x128xf32, #tpu.memory_space<vmem>>, vector<1024x128xf32>
    %dot_general3A_591 = arith.constant dense<0.000000e+00> : vector<128x1024xf32>
    %dot_general3A_592 = tpu.matmul %get3A_587, %get3A_590, %dot_general3A_591 {dimension_numbers = #tpu.dot_dimension_numbers<[1], [1], [0], [0], [0, 0, 1, 0], [], []>, transpose_lhs_hint = false} : vector<128x128xf32>, vector<1024x128xf32>, vector<128x1024xf32> -> vector<128x1024xf32>
    %mul3A_593 = arith.constant 1.000000e+00 : f32
    %mul3A_594 = vector.broadcast %mul3A_593 : f32 to vector<128x1024xf32>
    %mul3A_595 = arith.mulf %mul3A_594, %dot_general3A_592 : vector<128x1024xf32>
    %get3A_596 = arith.constant 896 : index
    %get3A_597 = vector.load %arg8[%get3A_596] : memref<1024xf32, #tpu.memory_space<vmem>>, vector<128xf32>
    %reshape3A_598 = vector.shape_cast %get3A_597 : vector<128xf32> to vector<128x1xf32>
    %add3A_599 = vector.broadcast %reshape3A_598 : vector<128x1xf32> to vector<128x1024xf32>
    %add3A_600 = arith.addf %mul3A_595, %add3A_599 : vector<128x1024xf32>
    %add3A_601 = arith.constant 0.000000e+00 : f32
    %add3A_602 = vector.broadcast %add3A_601 : f32 to vector<128x1024xf32>
    %add3A_603 = arith.addf %add3A_600, %add3A_602 : vector<128x1024xf32>
    %reshape3A_604 = vector.shape_cast %add3A_603 : vector<128x1024xf32> to vector<131072xf32>
    %swap3A_605 = arith.constant 917504 : index
    %swap3A_606 = vector.load %arg21[%swap3A_605] : memref<1048576xf32, #tpu.memory_space<vmem>>, vector<131072xf32>
    tpu.vector_store %arg21[%swap3A_605], %reshape3A_604 {strides = array<i32>} : memref<1048576xf32, #tpu.memory_space<vmem>>, vector<131072xf32>,
    %dma_start3A_607 = arith.constant 917504 : i32
    %dma_start3A_608 = tpu.memref_slice %arg17[%dma_start3A_607] : memref<1048576xf32, #tpu.memory_space<hbm>> -> memref<131072xf32, #tpu.memory_space<hbm>>
    %dma_start3A_609 = arith.constant 917504 : i32
    %dma_start3A_610 = tpu.memref_slice %arg21[%dma_start3A_609] : memref<1048576xf32, #tpu.memory_space<vmem>> -> memref<131072xf32, #tpu.memory_space<vmem>>
    tpu.enqueue_dma source(%dma_start3A_610 : memref<131072xf32, #tpu.memory_space<vmem>>) target(%dma_start3A_608 : memref<131072xf32, #tpu.memory_space<hbm>>) target_semaphore(%arg23 : memref<!tpu.dma_semaphore, #tpu.memory_space<semaphore_mem>>)
    %get3A_611 = arith.constant 0 : index
    %get3A_612 = vector.load %arg10[%get3A_611] : memref<16384xi32, #tpu.memory_space<vmem>>, vector<16384xi32>
    %get3A_613 = arith.constant 0 : index
    %get3A_614 = vector.load %arg11[%get3A_613] : memref<16384xi32, #tpu.memory_space<vmem>>, vector<16384xi32>
    %get3A_615 = arith.constant 0 : index
    %get3A_616 = vector.load %arg12[%get3A_615] : memref<16384xi32, #tpu.memory_space<vmem>>, vector<16384xi32>
    %get3A_617 = arith.constant 0 : index
    %get3A_618 = vector.load %arg13[%get3A_617] : memref<16384xi32, #tpu.memory_space<vmem>>, vector<16384xi32>
    %mul3A_619 = arith.constant 1024 : i32
    %mul3A_620 = vector.broadcast %mul3A_619 : i32 to vector<16384xi32>
    %mul3A_621 = arith.muli %get3A_612, %mul3A_620 : vector<16384xi32>
    %add3A_622 = arith.addi %mul3A_621, %get3A_614 : vector<16384xi32>
    %reshape3A_623 = vector.shape_cast %add3A_622 : vector<16384xi32> to vector<128x128xi32>
    %swap3A_624 = arith.constant 0 : index
    %swap3A_625 = arith.constant 0 : index
    %swap3A_626 = arith.constant 0 : index
    %swap3A_627 = vector.load %arg22[%swap3A_624, %swap3A_625, %swap3A_626] : memref<4x128x128xi32, #tpu.memory_space<vmem>>, vector<1x128x128xi32>
    %swap3A_628 = vector.shape_cast %swap3A_627 : vector<1x128x128xi32> to vector<128x128xi32>
    %swap3A_629 = vector.shape_cast %reshape3A_623 : vector<128x128xi32> to vector<1x128x128xi32>
    tpu.vector_store %arg22[%swap3A_624, %swap3A_625, %swap3A_626], %swap3A_629 {strides = array<i32>} : memref<4x128x128xi32, #tpu.memory_space<vmem>>, vector<1x128x128xi32>,
    %mul3A_630 = arith.constant 1024 : i32
    %mul3A_631 = vector.broadcast %mul3A_630 : i32 to vector<16384xi32>
    %mul3A_632 = arith.muli %get3A_614, %mul3A_631 : vector<16384xi32>
    %add3A_633 = arith.addi %mul3A_632, %get3A_616 : vector<16384xi32>
    %reshape3A_634 = vector.shape_cast %add3A_633 : vector<16384xi32> to vector<128x128xi32>
    %swap3A_635 = arith.constant 1 : index
    %swap3A_636 = arith.constant 0 : index
    %swap3A_637 = arith.constant 0 : index
    %swap3A_638 = vector.load %arg22[%swap3A_635, %swap3A_636, %swap3A_637] : memref<4x128x128xi32, #tpu.memory_space<vmem>>, vector<1x128x128xi32>
    %swap3A_639 = vector.shape_cast %swap3A_638 : vector<1x128x128xi32> to vector<128x128xi32>
    %swap3A_640 = vector.shape_cast %reshape3A_634 : vector<128x128xi32> to vector<1x128x128xi32>
    tpu.vector_store %arg22[%swap3A_635, %swap3A_636, %swap3A_637], %swap3A_640 {strides = array<i32>} : memref<4x128x128xi32, #tpu.memory_space<vmem>>, vector<1x128x128xi32>,
    %mul3A_641 = arith.constant 1024 : i32
    %mul3A_642 = vector.broadcast %mul3A_641 : i32 to vector<16384xi32>
    %mul3A_643 = arith.muli %get3A_618, %mul3A_642 : vector<16384xi32>
    %add3A_644 = arith.addi %mul3A_643, %get3A_614 : vector<16384xi32>
    %reshape3A_645 = vector.shape_cast %add3A_644 : vector<16384xi32> to vector<128x128xi32>
    %swap3A_646 = arith.constant 2 : index
    %swap3A_647 = arith.constant 0 : index
    %swap3A_648 = arith.constant 0 : index
    %swap3A_649 = vector.load %arg22[%swap3A_646, %swap3A_647, %swap3A_648] : memref<4x128x128xi32, #tpu.memory_space<vmem>>, vector<1x128x128xi32>
    %swap3A_650 = vector.shape_cast %swap3A_649 : vector<1x128x128xi32> to vector<128x128xi32>
    %swap3A_651 = vector.shape_cast %reshape3A_645 : vector<128x128xi32> to vector<1x128x128xi32>
    tpu.vector_store %arg22[%swap3A_646, %swap3A_647, %swap3A_648], %swap3A_651 {strides = array<i32>} : memref<4x128x128xi32, #tpu.memory_space<vmem>>, vector<1x128x128xi32>,
    %get3A_652 = arith.constant 0 : index
    %get3A_653 = vector.load %arg14[%get3A_652] : memref<16384xf32, #tpu.memory_space<vmem>>, vector<16384xf32>
    %bitcast_convert_type3A = tpu.bitcast %get3A_653 : vector<16384xf32> -> vector<16384xi32>
    %reshape3A_654 = vector.shape_cast %bitcast_convert_type3A : vector<16384xi32> to vector<128x128xi32>
    %swap3A_655 = arith.constant 3 : index
    %swap3A_656 = arith.constant 0 : index
    %swap3A_657 = arith.constant 0 : index
    %swap3A_658 = vector.load %arg22[%swap3A_655, %swap3A_656, %swap3A_657] : memref<4x128x128xi32, #tpu.memory_space<vmem>>, vector<1x128x128xi32>
    %swap3A_659 = vector.shape_cast %swap3A_658 : vector<1x128x128xi32> to vector<128x128xi32>
    %swap3A_660 = vector.shape_cast %reshape3A_654 : vector<128x128xi32> to vector<1x128x128xi32>
    tpu.vector_store %arg22[%swap3A_655, %swap3A_656, %swap3A_657], %swap3A_660 {strides = array<i32>} : memref<4x128x128xi32, #tpu.memory_space<vmem>>, vector<1x128x128xi32>,
    tpu.enqueue_dma source(%arg22 : memref<4x128x128xi32, #tpu.memory_space<vmem>>) target(%arg18 : memref<4x128x128xi32, #tpu.memory_space<hbm>>) target_semaphore(%arg23 : memref<!tpu.dma_semaphore, #tpu.memory_space<semaphore_mem>>)
    %dma_wait3A = arith.constant 0 : i32
    %dma_wait3A_661 = tpu.memref_slice %arg15[%dma_wait3A] : memref<1048576xf32, #tpu.memory_space<hbm>> -> memref<131072xf32, #tpu.memory_space<hbm>>
    %dma_wait3A_662 = arith.constant 0 : i32
    %dma_wait3A_663 = tpu.memref_slice %arg19[%dma_wait3A_662] : memref<1048576xf32, #tpu.memory_space<vmem>> -> memref<131072xf32, #tpu.memory_space<vmem>>
    tpu.wait_dma2 semaphore(%arg23 : memref<!tpu.dma_semaphore, #tpu.memory_space<semaphore_mem>>) src(%dma_wait3A_663 : memref<131072xf32, #tpu.memory_space<vmem>>) dst(%dma_wait3A_661 : memref<131072xf32, #tpu.memory_space<hbm>>)
    %dma_wait3A_664 = arith.constant 131072 : i32
    %dma_wait3A_665 = tpu.memref_slice %arg15[%dma_wait3A_664] : memref<1048576xf32, #tpu.memory_space<hbm>> -> memref<131072xf32, #tpu.memory_space<hbm>>
    %dma_wait3A_666 = arith.constant 131072 : i32
    %dma_wait3A_667 = tpu.memref_slice %arg19[%dma_wait3A_666] : memref<1048576xf32, #tpu.memory_space<vmem>> -> memref<131072xf32, #tpu.memory_space<vmem>>
    tpu.wait_dma2 semaphore(%arg23 : memref<!tpu.dma_semaphore, #tpu.memory_space<semaphore_mem>>) src(%dma_wait3A_667 : memref<131072xf32, #tpu.memory_space<vmem>>) dst(%dma_wait3A_665 : memref<131072xf32, #tpu.memory_space<hbm>>)
    %dma_wait3A_668 = arith.constant 262144 : i32
    %dma_wait3A_669 = tpu.memref_slice %arg15[%dma_wait3A_668] : memref<1048576xf32, #tpu.memory_space<hbm>> -> memref<131072xf32, #tpu.memory_space<hbm>>
    %dma_wait3A_670 = arith.constant 262144 : i32
    %dma_wait3A_671 = tpu.memref_slice %arg19[%dma_wait3A_670] : memref<1048576xf32, #tpu.memory_space<vmem>> -> memref<131072xf32, #tpu.memory_space<vmem>>
    tpu.wait_dma2 semaphore(%arg23 : memref<!tpu.dma_semaphore, #tpu.memory_space<semaphore_mem>>) src(%dma_wait3A_671 : memref<131072xf32, #tpu.memory_space<vmem>>) dst(%dma_wait3A_669 : memref<131072xf32, #tpu.memory_space<hbm>>)
    %dma_wait3A_672 = arith.constant 393216 : i32
    %dma_wait3A_673 = tpu.memref_slice %arg15[%dma_wait3A_672] : memref<1048576xf32, #tpu.memory_space<hbm>> -> memref<131072xf32, #tpu.memory_space<hbm>>
    %dma_wait3A_674 = arith.constant 393216 : i32
    %dma_wait3A_675 = tpu.memref_slice %arg19[%dma_wait3A_674] : memref<1048576xf32, #tpu.memory_space<vmem>> -> memref<131072xf32, #tpu.memory_space<vmem>>
    tpu.wait_dma2 semaphore(%arg23 : memref<!tpu.dma_semaphore, #tpu.memory_space<semaphore_mem>>) src(%dma_wait3A_675 : memref<131072xf32, #tpu.memory_space<vmem>>) dst(%dma_wait3A_673 : memref<131072xf32, #tpu.memory_space<hbm>>)
    %dma_wait3A_676 = arith.constant 524288 : i32
    %dma_wait3A_677 = tpu.memref_slice %arg15[%dma_wait3A_676] : memref<1048576xf32, #tpu.memory_space<hbm>> -> memref<131072xf32, #tpu.memory_space<hbm>>
    %dma_wait3A_678 = arith.constant 524288 : i32
    %dma_wait3A_679 = tpu.memref_slice %arg19[%dma_wait3A_678] : memref<1048576xf32, #tpu.memory_space<vmem>> -> memref<131072xf32, #tpu.memory_space<vmem>>
    tpu.wait_dma2 semaphore(%arg23 : memref<!tpu.dma_semaphore, #tpu.memory_space<semaphore_mem>>) src(%dma_wait3A_679 : memref<131072xf32, #tpu.memory_space<vmem>>) dst(%dma_wait3A_677 : memref<131072xf32, #tpu.memory_space<hbm>>)
    %dma_wait3A_680 = arith.constant 655360 : i32
    %dma_wait3A_681 = tpu.memref_slice %arg15[%dma_wait3A_680] : memref<1048576xf32, #tpu.memory_space<hbm>> -> memref<131072xf32, #tpu.memory_space<hbm>>
    %dma_wait3A_682 = arith.constant 655360 : i32
    %dma_wait3A_683 = tpu.memref_slice %arg19[%dma_wait3A_682] : memref<1048576xf32, #tpu.memory_space<vmem>> -> memref<131072xf32, #tpu.memory_space<vmem>>
    tpu.wait_dma2 semaphore(%arg23 : memref<!tpu.dma_semaphore, #tpu.memory_space<semaphore_mem>>) src(%dma_wait3A_683 : memref<131072xf32, #tpu.memory_space<vmem>>) dst(%dma_wait3A_681 : memref<131072xf32, #tpu.memory_space<hbm>>)
    %dma_wait3A_684 = arith.constant 786432 : i32
    %dma_wait3A_685 = tpu.memref_slice %arg15[%dma_wait3A_684] : memref<1048576xf32, #tpu.memory_space<hbm>> -> memref<131072xf32, #tpu.memory_space<hbm>>
    %dma_wait3A_686 = arith.constant 786432 : i32
    %dma_wait3A_687 = tpu.memref_slice %arg19[%dma_wait3A_686] : memref<1048576xf32, #tpu.memory_space<vmem>> -> memref<131072xf32, #tpu.memory_space<vmem>>
    tpu.wait_dma2 semaphore(%arg23 : memref<!tpu.dma_semaphore, #tpu.memory_space<semaphore_mem>>) src(%dma_wait3A_687 : memref<131072xf32, #tpu.memory_space<vmem>>) dst(%dma_wait3A_685 : memref<131072xf32, #tpu.memory_space<hbm>>)
    %dma_wait3A_688 = arith.constant 917504 : i32
    %dma_wait3A_689 = tpu.memref_slice %arg15[%dma_wait3A_688] : memref<1048576xf32, #tpu.memory_space<hbm>> -> memref<131072xf32, #tpu.memory_space<hbm>>
    %dma_wait3A_690 = arith.constant 917504 : i32
    %dma_wait3A_691 = tpu.memref_slice %arg19[%dma_wait3A_690] : memref<1048576xf32, #tpu.memory_space<vmem>> -> memref<131072xf32, #tpu.memory_space<vmem>>
    tpu.wait_dma2 semaphore(%arg23 : memref<!tpu.dma_semaphore, #tpu.memory_space<semaphore_mem>>) src(%dma_wait3A_691 : memref<131072xf32, #tpu.memory_space<vmem>>) dst(%dma_wait3A_689 : memref<131072xf32, #tpu.memory_space<hbm>>)
    %dma_wait3A_692 = arith.constant 0 : i32
    %dma_wait3A_693 = tpu.memref_slice %arg16[%dma_wait3A_692] : memref<1048576xf32, #tpu.memory_space<hbm>> -> memref<131072xf32, #tpu.memory_space<hbm>>
    %dma_wait3A_694 = arith.constant 0 : i32
    %dma_wait3A_695 = tpu.memref_slice %arg20[%dma_wait3A_694] : memref<1048576xf32, #tpu.memory_space<vmem>> -> memref<131072xf32, #tpu.memory_space<vmem>>
    tpu.wait_dma2 semaphore(%arg23 : memref<!tpu.dma_semaphore, #tpu.memory_space<semaphore_mem>>) src(%dma_wait3A_695 : memref<131072xf32, #tpu.memory_space<vmem>>) dst(%dma_wait3A_693 : memref<131072xf32, #tpu.memory_space<hbm>>)
    %dma_wait3A_696 = arith.constant 131072 : i32
    %dma_wait3A_697 = tpu.memref_slice %arg16[%dma_wait3A_696] : memref<1048576xf32, #tpu.memory_space<hbm>> -> memref<131072xf32, #tpu.memory_space<hbm>>
    %dma_wait3A_698 = arith.constant 131072 : i32
    %dma_wait3A_699 = tpu.memref_slice %arg20[%dma_wait3A_698] : memref<1048576xf32, #tpu.memory_space<vmem>> -> memref<131072xf32, #tpu.memory_space<vmem>>
    tpu.wait_dma2 semaphore(%arg23 : memref<!tpu.dma_semaphore, #tpu.memory_space<semaphore_mem>>) src(%dma_wait3A_699 : memref<131072xf32, #tpu.memory_space<vmem>>) dst(%dma_wait3A_697 : memref<131072xf32, #tpu.memory_space<hbm>>)
    %dma_wait3A_700 = arith.constant 262144 : i32
    %dma_wait3A_701 = tpu.memref_slice %arg16[%dma_wait3A_700] : memref<1048576xf32, #tpu.memory_space<hbm>> -> memref<131072xf32, #tpu.memory_space<hbm>>
    %dma_wait3A_702 = arith.constant 262144 : i32
    %dma_wait3A_703 = tpu.memref_slice %arg20[%dma_wait3A_702] : memref<1048576xf32, #tpu.memory_space<vmem>> -> memref<131072xf32, #tpu.memory_space<vmem>>
    tpu.wait_dma2 semaphore(%arg23 : memref<!tpu.dma_semaphore, #tpu.memory_space<semaphore_mem>>) src(%dma_wait3A_703 : memref<131072xf32, #tpu.memory_space<vmem>>) dst(%dma_wait3A_701 : memref<131072xf32, #tpu.memory_space<hbm>>)
    %dma_wait3A_704 = arith.constant 393216 : i32
    %dma_wait3A_705 = tpu.memref_slice %arg16[%dma_wait3A_704] : memref<1048576xf32, #tpu.memory_space<hbm>> -> memref<131072xf32, #tpu.memory_space<hbm>>
    %dma_wait3A_706 = arith.constant 393216 : i32
    %dma_wait3A_707 = tpu.memref_slice %arg20[%dma_wait3A_706] : memref<1048576xf32, #tpu.memory_space<vmem>> -> memref<131072xf32, #tpu.memory_space<vmem>>
    tpu.wait_dma2 semaphore(%arg23 : memref<!tpu.dma_semaphore, #tpu.memory_space<semaphore_mem>>) src(%dma_wait3A_707 : memref<131072xf32, #tpu.memory_space<vmem>>) dst(%dma_wait3A_705 : memref<131072xf32, #tpu.memory_space<hbm>>)
    %dma_wait3A_708 = arith.constant 524288 : i32
    %dma_wait3A_709 = tpu.memref_slice %arg16[%dma_wait3A_708] : memref<1048576xf32, #tpu.memory_space<hbm>> -> memref<131072xf32, #tpu.memory_space<hbm>>
    %dma_wait3A_710 = arith.constant 524288 : i32
    %dma_wait3A_711 = tpu.memref_slice %arg20[%dma_wait3A_710] : memref<1048576xf32, #tpu.memory_space<vmem>> -> memref<131072xf32, #tpu.memory_space<vmem>>
    tpu.wait_dma2 semaphore(%arg23 : memref<!tpu.dma_semaphore, #tpu.memory_space<semaphore_mem>>) src(%dma_wait3A_711 : memref<131072xf32, #tpu.memory_space<vmem>>) dst(%dma_wait3A_709 : memref<131072xf32, #tpu.memory_space<hbm>>)
    %dma_wait3A_712 = arith.constant 655360 : i32
    %dma_wait3A_713 = tpu.memref_slice %arg16[%dma_wait3A_712] : memref<1048576xf32, #tpu.memory_space<hbm>> -> memref<131072xf32, #tpu.memory_space<hbm>>
    %dma_wait3A_714 = arith.constant 655360 : i32
    %dma_wait3A_715 = tpu.memref_slice %arg20[%dma_wait3A_714] : memref<1048576xf32, #tpu.memory_space<vmem>> -> memref<131072xf32, #tpu.memory_space<vmem>>
    tpu.wait_dma2 semaphore(%arg23 : memref<!tpu.dma_semaphore, #tpu.memory_space<semaphore_mem>>) src(%dma_wait3A_715 : memref<131072xf32, #tpu.memory_space<vmem>>) dst(%dma_wait3A_713 : memref<131072xf32, #tpu.memory_space<hbm>>)
    %dma_wait3A_716 = arith.constant 786432 : i32
    %dma_wait3A_717 = tpu.memref_slice %arg16[%dma_wait3A_716] : memref<1048576xf32, #tpu.memory_space<hbm>> -> memref<131072xf32, #tpu.memory_space<hbm>>
    %dma_wait3A_718 = arith.constant 786432 : i32
    %dma_wait3A_719 = tpu.memref_slice %arg20[%dma_wait3A_718] : memref<1048576xf32, #tpu.memory_space<vmem>> -> memref<131072xf32, #tpu.memory_space<vmem>>
    tpu.wait_dma2 semaphore(%arg23 : memref<!tpu.dma_semaphore, #tpu.memory_space<semaphore_mem>>) src(%dma_wait3A_719 : memref<131072xf32, #tpu.memory_space<vmem>>) dst(%dma_wait3A_717 : memref<131072xf32, #tpu.memory_space<hbm>>)
    %dma_wait3A_720 = arith.constant 917504 : i32
    %dma_wait3A_721 = tpu.memref_slice %arg16[%dma_wait3A_720] : memref<1048576xf32, #tpu.memory_space<hbm>> -> memref<131072xf32, #tpu.memory_space<hbm>>
    %dma_wait3A_722 = arith.constant 917504 : i32
    %dma_wait3A_723 = tpu.memref_slice %arg20[%dma_wait3A_722] : memref<1048576xf32, #tpu.memory_space<vmem>> -> memref<131072xf32, #tpu.memory_space<vmem>>
    tpu.wait_dma2 semaphore(%arg23 : memref<!tpu.dma_semaphore, #tpu.memory_space<semaphore_mem>>) src(%dma_wait3A_723 : memref<131072xf32, #tpu.memory_space<vmem>>) dst(%dma_wait3A_721 : memref<131072xf32, #tpu.memory_space<hbm>>)
    %dma_wait3A_724 = arith.constant 0 : i32
    %dma_wait3A_725 = tpu.memref_slice %arg17[%dma_wait3A_724] : memref<1048576xf32, #tpu.memory_space<hbm>> -> memref<131072xf32, #tpu.memory_space<hbm>>
    %dma_wait3A_726 = arith.constant 0 : i32
    %dma_wait3A_727 = tpu.memref_slice %arg21[%dma_wait3A_726] : memref<1048576xf32, #tpu.memory_space<vmem>> -> memref<131072xf32, #tpu.memory_space<vmem>>
    tpu.wait_dma2 semaphore(%arg23 : memref<!tpu.dma_semaphore, #tpu.memory_space<semaphore_mem>>) src(%dma_wait3A_727 : memref<131072xf32, #tpu.memory_space<vmem>>) dst(%dma_wait3A_725 : memref<131072xf32, #tpu.memory_space<hbm>>)
    %dma_wait3A_728 = arith.constant 131072 : i32
    %dma_wait3A_729 = tpu.memref_slice %arg17[%dma_wait3A_728] : memref<1048576xf32, #tpu.memory_space<hbm>> -> memref<131072xf32, #tpu.memory_space<hbm>>
    %dma_wait3A_730 = arith.constant 131072 : i32
    %dma_wait3A_731 = tpu.memref_slice %arg21[%dma_wait3A_730] : memref<1048576xf32, #tpu.memory_space<vmem>> -> memref<131072xf32, #tpu.memory_space<vmem>>
    tpu.wait_dma2 semaphore(%arg23 : memref<!tpu.dma_semaphore, #tpu.memory_space<semaphore_mem>>) src(%dma_wait3A_731 : memref<131072xf32, #tpu.memory_space<vmem>>) dst(%dma_wait3A_729 : memref<131072xf32, #tpu.memory_space<hbm>>)
    %dma_wait3A_732 = arith.constant 262144 : i32
    %dma_wait3A_733 = tpu.memref_slice %arg17[%dma_wait3A_732] : memref<1048576xf32, #tpu.memory_space<hbm>> -> memref<131072xf32, #tpu.memory_space<hbm>>
    %dma_wait3A_734 = arith.constant 262144 : i32
    %dma_wait3A_735 = tpu.memref_slice %arg21[%dma_wait3A_734] : memref<1048576xf32, #tpu.memory_space<vmem>> -> memref<131072xf32, #tpu.memory_space<vmem>>
    tpu.wait_dma2 semaphore(%arg23 : memref<!tpu.dma_semaphore, #tpu.memory_space<semaphore_mem>>) src(%dma_wait3A_735 : memref<131072xf32, #tpu.memory_space<vmem>>) dst(%dma_wait3A_733 : memref<131072xf32, #tpu.memory_space<hbm>>)
    %dma_wait3A_736 = arith.constant 393216 : i32
    %dma_wait3A_737 = tpu.memref_slice %arg17[%dma_wait3A_736] : memref<1048576xf32, #tpu.memory_space<hbm>> -> memref<131072xf32, #tpu.memory_space<hbm>>
    %dma_wait3A_738 = arith.constant 393216 : i32
    %dma_wait3A_739 = tpu.memref_slice %arg21[%dma_wait3A_738] : memref<1048576xf32, #tpu.memory_space<vmem>> -> memref<131072xf32, #tpu.memory_space<vmem>>
    tpu.wait_dma2 semaphore(%arg23 : memref<!tpu.dma_semaphore, #tpu.memory_space<semaphore_mem>>) src(%dma_wait3A_739 : memref<131072xf32, #tpu.memory_space<vmem>>) dst(%dma_wait3A_737 : memref<131072xf32, #tpu.memory_space<hbm>>)
    %dma_wait3A_740 = arith.constant 524288 : i32
    %dma_wait3A_741 = tpu.memref_slice %arg17[%dma_wait3A_740] : memref<1048576xf32, #tpu.memory_space<hbm>> -> memref<131072xf32, #tpu.memory_space<hbm>>
    %dma_wait3A_742 = arith.constant 524288 : i32
    %dma_wait3A_743 = tpu.memref_slice %arg21[%dma_wait3A_742] : memref<1048576xf32, #tpu.memory_space<vmem>> -> memref<131072xf32, #tpu.memory_space<vmem>>
    tpu.wait_dma2 semaphore(%arg23 : memref<!tpu.dma_semaphore, #tpu.memory_space<semaphore_mem>>) src(%dma_wait3A_743 : memref<131072xf32, #tpu.memory_space<vmem>>) dst(%dma_wait3A_741 : memref<131072xf32, #tpu.memory_space<hbm>>)
    %dma_wait3A_744 = arith.constant 655360 : i32
    %dma_wait3A_745 = tpu.memref_slice %arg17[%dma_wait3A_744] : memref<1048576xf32, #tpu.memory_space<hbm>> -> memref<131072xf32, #tpu.memory_space<hbm>>
    %dma_wait3A_746 = arith.constant 655360 : i32
    %dma_wait3A_747 = tpu.memref_slice %arg21[%dma_wait3A_746] : memref<1048576xf32, #tpu.memory_space<vmem>> -> memref<131072xf32, #tpu.memory_space<vmem>>
    tpu.wait_dma2 semaphore(%arg23 : memref<!tpu.dma_semaphore, #tpu.memory_space<semaphore_mem>>) src(%dma_wait3A_747 : memref<131072xf32, #tpu.memory_space<vmem>>) dst(%dma_wait3A_745 : memref<131072xf32, #tpu.memory_space<hbm>>)
    %dma_wait3A_748 = arith.constant 786432 : i32
    %dma_wait3A_749 = tpu.memref_slice %arg17[%dma_wait3A_748] : memref<1048576xf32, #tpu.memory_space<hbm>> -> memref<131072xf32, #tpu.memory_space<hbm>>
    %dma_wait3A_750 = arith.constant 786432 : i32
    %dma_wait3A_751 = tpu.memref_slice %arg21[%dma_wait3A_750] : memref<1048576xf32, #tpu.memory_space<vmem>> -> memref<131072xf32, #tpu.memory_space<vmem>>
    tpu.wait_dma2 semaphore(%arg23 : memref<!tpu.dma_semaphore, #tpu.memory_space<semaphore_mem>>) src(%dma_wait3A_751 : memref<131072xf32, #tpu.memory_space<vmem>>) dst(%dma_wait3A_749 : memref<131072xf32, #tpu.memory_space<hbm>>)
    %dma_wait3A_752 = arith.constant 917504 : i32
    %dma_wait3A_753 = tpu.memref_slice %arg17[%dma_wait3A_752] : memref<1048576xf32, #tpu.memory_space<hbm>> -> memref<131072xf32, #tpu.memory_space<hbm>>
    %dma_wait3A_754 = arith.constant 917504 : i32
    %dma_wait3A_755 = tpu.memref_slice %arg21[%dma_wait3A_754] : memref<1048576xf32, #tpu.memory_space<vmem>> -> memref<131072xf32, #tpu.memory_space<vmem>>
    tpu.wait_dma2 semaphore(%arg23 : memref<!tpu.dma_semaphore, #tpu.memory_space<semaphore_mem>>) src(%dma_wait3A_755 : memref<131072xf32, #tpu.memory_space<vmem>>) dst(%dma_wait3A_753 : memref<131072xf32, #tpu.memory_space<hbm>>)
    tpu.wait_dma2 semaphore(%arg23 : memref<!tpu.dma_semaphore, #tpu.memory_space<semaphore_mem>>) src(%arg22 : memref<4x128x128xi32, #tpu.memory_space<vmem>>) dst(%arg18 : memref<4x128x128xi32, #tpu.memory_space<hbm>>)
    return
  }
}

</mosaic_0001>

<sc_bundles>
// kernel: kernel.4.cloned.1.call-start
scs
__scs_entry_jumppad:
0x0: {  	(pc) =	sbr.rel $0x88, $3  }
0x1: {  	(tag) =	ssettag $0x0;
	lr =	simm.s32 $0x1  }
0x2: {  	[smem:$0x3F92] =	sst lr;
	_ =	strace $0xD0000000  }
0x3: {  	_ = 	snop  }
0x4: {  	_ = 	snop  }
0x5: {  	_ = 	snop  }
0x6: {  	_ = 	snop  }
0x7: {  	_ = 	snop  }
__scs_overlays_trampoline_lowered:
0x8: {  	[smem:$0x3FA1] =	sst s0  }
0x9: {  	[smem:$0x3FA2] =	sst s1  }
0xa: {  	[smem:$0x3FA3] =	sst s2  }
0xb: {  	[smem:$0x3FA4] =	sst s3  }
0xc: {  	[smem:$0x3FA5] =	sst s4  }
0xd: {  	[smem:$0x3FA6] =	sst s5  }
0xe: {  	[smem:$0x3FA7] =	sst s6  }
0xf: {  	[smem:$0x3FA8] =	sst s7  }
0x10: {  	[smem:$0x3FA9] =	sst s8  }
0x11: {  	[smem:$0x3FAA] =	sst s9;
	s0 =	simm.s32 @!p0 $0x0  }
0x12: {  	s1 =	sld [smem:$0x3F90];
	s0 =	simm.s32 @p0 $0x1  }
0x13: {  	[smem:$0x3FAB] =	sst s0;
	s0 =	simm.s32 @!p1 $0x0  }
0x14: {  	s2 =	sld [smem:$0x3F8F];
	s0 =	simm.s32 @p1 $0x1  }
0x15: {  	[smem:$0x3FAC] =	sst s0;
	s0 =	simm.s32 @!p2 $0x0  }
0x16: {  	s3 =	sld [smem:$0x3FDB];
	s0 =	simm.s32 @p2 $0x1  }
0x17: {  	s4 =	simm.s32 $0x1BF5;
	[smem:$0x3FAE] =	sst s0  }
0x18: {  	s0 =	sld [smem:$0x3F91];
	_ =	swait.ge [sflag:s4], $0x0  }
0x19: {  	s7 =	sld [smem:$0x3F92]  }
0x1a: {  	s8 =	sadd.s32 $0xFFFFE003, lr  }
0x1b: {  	s9 =	sadd.s32 $0xFFFFFEF7, lr;
	s5 =	simm.s32 $0xFFFFFFFF;
	p2 =	slt.u32 s8, $0xFFFFF086  }
0x1c: {  	p1 =	slt.u32 s9, $0xF7A;
	s5 =	simm.s32 @!p2 $0x0  }
0x1d: {  	s5 =	simm.s32 @p1 $0x1;
	p0 =	seq.s32 s7, s2  }
0x1e: {  	s7 =	smul.u32 @!p0 $0xF7A, s2;
	p2 =	seq.s32 @!p0 s5, $0x0  }
0x1f: {  	s9 =	smul.u32 $0xF7A, s1;
	s8 =	simm.s32 @!p0 $0x1BF5;
	p2 =	por !p2, p0  }
0x20: {  	[sflag:s8] =	ssyncset.s32 @!p0 $0xFFFFF086;
	s6 =	sadd.s32 @!p0 s3, s7;
	s7 =	simm.s32 @!p0 $0x108  }
0x21: {  	s3 =	sadd.s32 s3, s9;
	s6 =	sadd.s32 @!p0 $0x88, s6;
	s7 =	simm.s32 @p2 $0x1082  }
0x22: {  	[simem:s7], [sflag:s8] =	dma.local @!p0 [hbm:s6], $0xF7A  }
0x23: {  	s9 =	sor.u32 $0xD0000000, s2;
	s6 =	simm.s32 $0x108;
	_ =	swait.ge @!p0 [sflag:s8], $0x0  }
0x24: {  	s3 =	sadd.s32 $0x88, s3;
	s6 =	simm.s32 @!p1 $0x1082;
	[sflag:s4] =	ssyncset.s32 $0xFFFFF086  }
0x25: {  	[simem:s6], [sflag:s4] =	dma.local [hbm:s3], $0xF7A  }
0x26: {  	[smem:$0x3F92] =	sst s1;
	(tag) =	ssettag s2;
	_ =	strace s9  }
0x27: {  	s1 =	sld [smem:$0x3FA2]  }
0x28: {  	s2 =	sld [smem:$0x3FA3]  }
0x29: {  	s4 =	sld [smem:$0x3FA5]  }
0x2a: {  	p0 =	seq.s32 s5, $0x0;
	s5 =	sld [smem:$0x3FA6]  }
0x2b: {  	s6 =	sld [smem:$0x3FA7]  }
0x2c: {  	s7 =	sld [smem:$0x3FA8]  }
0x2d: {  	s3 =	simm.s32 $0x108;
	s8 =	sld [smem:$0x3FA9]  }
0x2e: {  	s3 =	simm.s32 @!p0 $0x1082;
	s9 =	sld [smem:$0x3FAA]  }
0x2f: {  	lr =	sadd.s32 s0, s3;
	s0 =	sld [smem:$0x3FA1]  }
0x30: {  	s3 =	sld [smem:$0x3FA4]  }
0x31: {  	[smem:$0x3FAD] =	sst s10  }
0x32: {  	s10 =	sld [smem:$0x3FAB];
	_ =	sdelay $0x3  }
0x33: {  	p0 =	seq.s32 s10, $0x1;
	s10 =	sld [smem:$0x3FAD];
	_ =	sdelay $0x3  }
0x34: {  	[smem:$0x3FAD] =	sst s10  }
0x35: {  	s10 =	sld [smem:$0x3FAC];
	_ =	sdelay $0x3  }
0x36: {  	p1 =	seq.s32 s10, $0x1;
	s10 =	sld [smem:$0x3FAD];
	_ =	sdelay $0x3  }
0x37: {  	[smem:$0x3FAD] =	sst s10  }
0x38: {  	s10 =	sld [smem:$0x3FAE]  }
0x39: {  	_ = 	snop;
	(pc) =	sbr.ind lr, $3  }
0x3a: {  	_ = 	snop  }
0x3b: {  	_ = 	snop  }
0x3c: {  	p2 =	seq.s32 s10, $0x1;
	s10 =	sld [smem:$0x3FAD]  }
0x3d: {  	_ =	shalt  }
0x3e: {  	_ =	shalt  }
0x3f: {  	_ =	shalt  }
0x40: {  	_ =	shalt  }
0x41: {  	_ =	shalt  }
0x42: {  	_ =	shalt  }
0x43: {  	_ =	shalt  }
0x44: {  	_ =	shalt  }
0x45: {  	_ =	shalt  }
0x46: {  	_ =	shalt  }
0x47: {  	_ =	shalt  }
0x48: {  	_ =	shalt  }
0x49: {  	_ =	shalt  }
0x4a: {  	_ =	shalt  }
0x4b: {  	_ =	shalt  }
0x4c: {  	_ =	shalt  }
0x4d: {  	_ =	shalt  }
0x4e: {  	_ =	shalt  }
0x4f: {  	_ =	shalt  }
0x50: {  	_ =	shalt  }
0x51: {  	_ =	shalt  }
0x52: {  	_ =	shalt  }
0x53: {  	_ =	shalt  }
0x54: {  	_ =	shalt  }
0x55: {  	_ =	shalt  }
0x56: {  	_ =	shalt  }
0x57: {  	_ =	shalt  }
0x58: {  	_ =	shalt  }
0x59: {  	_ =	shalt  }
0x5a: {  	_ =	shalt  }
0x5b: {  	_ =	shalt  }
0x5c: {  	_ =	shalt  }
0x5d: {  	_ =	shalt  }
0x5e: {  	_ =	shalt  }
0x5f: {  	_ =	shalt  }
0x60: {  	_ =	shalt  }
0x61: {  	_ =	shalt  }
0x62: {  	_ =	shalt  }
0x63: {  	_ =	shalt  }
0x64: {  	_ =	shalt  }
0x65: {  	_ =	shalt  }
0x66: {  	_ =	shalt  }
0x67: {  	_ =	shalt  }
0x68: {  	_ =	shalt  }
0x69: {  	_ =	shalt  }
0x6a: {  	_ =	shalt  }
0x6b: {  	_ =	shalt  }
0x6c: {  	_ =	shalt  }
0x6d: {  	_ =	shalt  }
0x6e: {  	_ =	shalt  }
0x6f: {  	_ =	shalt  }
0x70: {  	_ =	shalt  }
0x71: {  	_ =	shalt  }
0x72: {  	_ =	shalt  }
0x73: {  	_ =	shalt  }
0x74: {  	_ =	shalt  }
0x75: {  	_ =	shalt  }
0x76: {  	_ =	shalt  }
0x77: {  	_ =	shalt  }
0x78: {  	_ =	shalt  }
0x79: {  	_ =	shalt  }
0x7a: {  	_ =	shalt  }
0x7b: {  	_ =	shalt  }
0x7c: {  	_ =	shalt  }
0x7d: {  	_ =	shalt  }
0x7e: {  	_ =	shalt  }
0x7f: {  	_ =	shalt  }
0x80: {  	_ =	shalt  }
0x81: {  	_ =	shalt  }
0x82: {  	_ =	shalt  }
0x83: {  	_ =	shalt  }
0x84: {  	_ =	shalt  }
0x85: {  	_ =	shalt  }
0x86: {  	_ =	shalt  }
0x87: {  	_ =	shalt  }
.Lfunc_end0:
.L_simem_size_0:
called_computation_lowered:
.L_overlay_start_0:
0x88: {  	s2 =	sld [smem:$0x3FD9]  }
0x89: {  	s3 =	sld [smem:$0x3FFE];
	_ =	sdelay $0x1  }
0x8a: {  	s1 =	srdreg.scid  }
0x8b: {  	s0 =	sand.u32 $0x1, s1  }
0x8c: {  	s16 =	sshll.u32 s0, $0xA;
	s2 =	sadd.s32 s3, s2  }
0x8d: {  	s2 =	sadd.s32 s2, s16  }
0x8e: {  	[smem:$0x3FB9] =	sst s2  }
0x8f: {  	_ = 	snop  }
0x90: {  	(tm) =	ssettm $0x1  }
0x91: {  	s17 =	sld [smem:$0x3FFB];
	_ =	sdelay $0x3  }
0x92: {  	_ =	strace s17  }
0x93: {  	s2 =	sld [smem:$0x3FFC];
	_ =	sdelay $0x3  }
0x94: {  	_ =	strace s2  }
0x95: {  	s2 =	sld [smem:$0x3FFD];
	_ =	sdelay $0x3  }
0x96: {  	_ =	strace s2  }
0x97: {  	_ =	strace $0x8FFFFFFF  }
0x98: {  	s18 =	sld [smem:$0x3FDB];
	_ =	sdelay $0x1  }
0x99: {  	s19 =	simm.s32 $_scs_section_size  }
0x9a: {  	s4 =	simm.s32 $_size__tile_overlayer_lowered;
	s5 =	simm.s32 $_tile_overlayer_lowered  }
0x9b: {  	s22 =	simm.s32 $0x1BFF;
	s21 =	sshll.u32 s5, $0x1;
	s2 =	sadd.s32 s19, s18  }
0x9c: {  	s6 =	simm.s32 $0x0;
	s20 =	sshll.u32 s4, $0x1;
	s4 =	sadd.s32 s21, s2  }
0x9d: {  	[timem:s6], [sflag:s22] =	dma.local [hbm:s4], s20  }
0x9e: {  	_ =	swait.ge [sflag:s22], s20  }
0x9f: {  	s3 =	ssub.s32 $0x0, s20;
	[sflag:s22] =	ssyncset.done $0x0  }
0xa0: {  	[sflag:s22] =	ssyncadd.s32 s3;
	_ =	sdelay $0x1  }
0xa1: {  	s23 =	simm.s32 $0x1B8B  }
0xa2: {  	_ =	swait.ge [sflag:s23], $0x1  }
0xa3: {  	[sflag:s23] =	ssyncset.done $0x0  }
0xa4: {  	s25 =	simm.s32 $0x1B8E;
	s24 =	sld [smem:$0x3FFE];
	[sflag:s23] =	ssyncadd.s32 $0xFFFFFFFF  }
0xa5: {  	s26 =	simm.s32 $execute0_lowered;
	[smem:$0x3FD2] =	sst s25  }
0xa6: {  	s4 =	sshll.u32 s26, $0x1;
	_ =	strace $0x80000046;
	[dreg:$0x1] =	wrdreg $0xFFFFFFFF  }
0xa7: {  	s28 =	simm.s32 $_size_execute0_lowered;
	s2 =	sadd.s32 s2, s4;
	[dreg:$0x0] =	wrdreg $0x0  }
0xa8: {  	s4 =	sshll.u32 s28, $0x1;
	[dreg:$0x2] =	wrdreg s2  }
0xa9: {  	[dreg:$0x3] =	wrdreg s4  }
0xaa: {  	[dreg:$0x4] =	wrdreg $0xC0  }
0xab: {  	_ =	task [dreg:s6], $0x5FFFF  }
0xac: {  	[dreg:$0x1] =	wrdreg $0xFFFFFFFF  }
0xad: {  	[dreg:$0x0] =	wrdreg $0x60  }
0xae: {  	[dreg:$0x2] =	wrdreg s24  }
0xaf: {  	[dreg:$0x3] =	wrdreg $0x9  }
0xb0: {  	_ =	task.clear_ibuf [dreg:s6], $0x4FFFF;
	_ =	strace $0x90000046  }
0xb1: {  	s29 =	simm.s32 $0x9;
	_ =	strace $0x80000048  }
0xb2: {  	_ =	swait.ge [sflag:s29], $0x1  }
0xb3: {  	[sflag:s29] =	ssyncadd.s32 $0xFFFFFFFF  }
0xb4: {  	_ =	strace $0x90000048  }
0xb5: {  	_ =	sfence  }
0xb6: {  	s30 =	sld [smem:$0x0];
	_ =	sdelay $0x2  }
0xb7: {  	s31 =	sshll.u32 s1, $0xD;
	s1 =	sshrl.u32 s1, $0x2  }
0xb8: {  	s3 =	sand.u32 $0x4000, s31;
	s1 =	sadd.s32 s1, s30  }
0xb9: {  	s0 =	sor.u32 s3, s0;
	s1 =	sshll.u32 s1, $0x11  }
0xba: {  	s0 =	sor.u32 s1, s0  }
0xbb: {  	s0 =	sadd.s32 $0x8F2B, s0  }
0xbc: {  	[sflag:s0] =	ssyncadd.remote.s32 $0x1  }
0xbd: {  	_ =	sfence.sel $0xFFFF  }
0xbe: {  	[dreg:$0x0] =	wrdreg $0xFFFFFFFF;
	(pc) =	sbr.abs _section_cstart, $3  }
0xbf: {  	[dreg:$0x1] =	wrdreg $0xFFFFFFFF  }
0xc0: {  	_ =	task.clear_ibuf [dreg:s6], $0x2FFFF;
	_ =	strace $0x9FFFFFFF  }
0xc1: {  	(tm) =	ssettm $0x7FFFFFFF  }
tec
execute0_lowered:
.L_overlay_start_1:
0x0: {  	(tag) =	ssettag $0x1  }
0x1: {  	s0 =	rddreg [dreg:$0x0];
	s1 =	simm.s32 $0x0;
	s2 =	srdreg.scid  }
0x2: {  	s19 =	stileid.u32;
	s25 =	simm.s32 $0x4000;
	s26 =	simm.s32 $0x800  }
0x3: {  	s11 =	simm.s32 $0x400;
	s12 =	simm.s32 $0xC00;
	s13 =	simm.s32 $0x880  }
0x4: {  	s14 =	simm.s32 $0x280;
	s15 =	simm.s32 $0xA80;
	s16 =	simm.s32 $0x480  }
0x5: {  	s17 =	simm.s32 $0xC80;
	s18 =	simm.s32 $0x100;
	s28 =	simm.s32 $0xB80  }
0x6: {  	s29 =	simm.s32 $0x580;
	s30 =	simm.s32 $0xD80;
	s31 =	simm.s32 $0xE00  }
0x7: {  	[smem:$0x7FF] =	sst s1;
	s3 =	sadd.s32 $0x2600, s0;
	s5 =	sand.u32 $0x1, s2  }
0x8: {  	s4 =	sadd.s32 $0x22600, s0;
	s8 =	sshll.u32 s19, $0x7;
	s20 =	sshll.u32 s19, $0x5  }
0x9: {  	s19 =	simm.s32 $0x900;
	_ =	strace $0x80000047;
	s6 =	sshll.u32 s5, $0x6  }
0xa: {  	s7 =	sshll.u32 s5, $0x4;
	s9 =	ssub.s32 $0x2, s5;
	[dreg:$0x4] =	wrdreg s25  }
0xb: {  	s5 =	sadd.s32 $0x42600, s0;
	[dreg:$0x5] =	wrdreg s26;
	s25 =	simm.s32 $0x980  }
0xc: {  	s26 =	simm.s32 $0x380;
	s6 =	sadd.s32 s6, s0;
	s7 =	sadd.s32 s7, s0  }
0xd: {  	s23 =	sshrl.u32 s9, $0x1;
	s0 =	simm.s32 $0x2;
	s6 =	sadd.s32 s8, s6  }
0xe: {  	s22 =	sadd.s32 s20, s7;
	s24 =	ssub.s32 s9, s23;
	s7 =	simm.s32 $0x200  }
0xf: {  	s8 =	simm.s32 $0x1;
	s9 =	simm.s32 $0x80;
	s21 =	sadd.s32 $0x62600, s6  }
0x10: {  	s20 =	simm.s32 $0x300;
	s6 =	sadd.s32 $0x64600, s22;
	[dreg:$0x2] =	wrdreg s21  }
0x11: {  	s23 =	simm.s32 $0xD00;
	s22 =	simm.s32 $0x500;
	[dreg:$0x3] =	wrdreg s6  }
0x12: {  	s6 =	smax.u32 s24, $0x1;
	s21 =	simm.s32 $0xB00;
	s24 =	simm.s32 $0x180  }
.LBB2_1:
0x13: {  	s2 =	rddreg [dreg:$0x2]  }
0x14: {  	s10 =	rddreg [dreg:$0x4]  }
0x15: {  	[tilespmem:s1], [sflag:$0x1] =	stream.strided.gather [hbm4b:s2+s7], $0x800, s10, s7, $0x38;
	[tilespmem:$0xE80] =	vst v63  }
0x16: {  	_ =	swait.ge [sflag:s8], $0x800  }
0x17: {  	[sflag:s8] =	ssyncset.done $0x0  }
0x18: {  	s10 =	rddreg [dreg:$0x5];
	[sflag:s8] =	ssyncadd.s32 $0xFFFFF800  }
0x19: {  	[tilespmem:s10], [sflag:$0x1] =	stream.indirect.gather [hbm4b:s3+s9], $0x1, s1, s9, $0xb8;
	[tilespmem:$0xE80] =	vst v63  }
0x1a: {  	s10 =	simm.s32 $0xA00  }
0x1b: {  	[tilespmem:s10], [sflag:$0x1] =	stream.indirect.gather [hbm4b:s4+s9], $0x1, s7, s9, $0xb8;
	[tilespmem:$0xE80] =	vst v63  }
0x1c: {  	_ = 	snop  }
0x1d: {  	[tilespmem:s12], [sflag:$0x1] =	stream.indirect.gather [hbm4b:s5+s9], $0x1, s11, s9, $0xb8;
	[tilespmem:$0xE80] =	vst v63  }
0x1e: {  	_ = 	snop  }
0x1f: {  	[tilespmem:s13], [sflag:$0x1] =	stream.indirect.gather [hbm4b:s3+s9], $0x1, s9, s9, $0xb8;
	[tilespmem:$0xE80] =	vst v63  }
0x20: {  	_ = 	snop  }
0x21: {  	[tilespmem:s15], [sflag:$0x1] =	stream.indirect.gather [hbm4b:s4+s9], $0x1, s14, s9, $0xb8;
	[tilespmem:$0xE80] =	vst v63  }
0x22: {  	_ = 	snop  }
0x23: {  	[tilespmem:s17], [sflag:$0x1] =	stream.indirect.gather [hbm4b:s5+s9], $0x1, s16, s9, $0xb8;
	[tilespmem:$0xE80] =	vst v63  }
0x24: {  	_ = 	snop  }
0x25: {  	[tilespmem:s19], [sflag:$0x1] =	stream.indirect.gather [hbm4b:s3+s9], $0x1, s18, s9, $0xb8;
	[tilespmem:$0xE80] =	vst v63  }
0x26: {  	_ = 	snop  }
0x27: {  	[tilespmem:s21], [sflag:$0x1] =	stream.indirect.gather [hbm4b:s4+s9], $0x1, s20, s9, $0xb8;
	[tilespmem:$0xE80] =	vst v63  }
0x28: {  	_ = 	snop  }
0x29: {  	[tilespmem:s23], [sflag:$0x1] =	stream.indirect.gather [hbm4b:s5+s9], $0x1, s22, s9, $0xb8;
	[tilespmem:$0xE80] =	vst v63  }
0x2a: {  	_ = 	snop  }
0x2b: {  	[tilespmem:s25], [sflag:$0x1] =	stream.indirect.gather [hbm4b:s3+s9], $0x1, s24, s9, $0xb8;
	[tilespmem:$0xE80] =	vst v63  }
0x2c: {  	_ = 	snop  }
0x2d: {  	[tilespmem:s28], [sflag:$0x1] =	stream.indirect.gather [hbm4b:s4+s9], $0x1, s26, s9, $0xb8;
	[tilespmem:$0xE80] =	vst v63  }
0x2e: {  	_ = 	snop  }
0x2f: {  	[tilespmem:s30], [sflag:$0x1] =	stream.indirect.gather [hbm4b:s5+s9], $0x1, s29, s9, $0xb8;
	[tilespmem:$0xE80] =	vst v63  }
0x30: {  	_ =	swait.ge [sflag:s8], $0x80  }
0x31: {  	[sflag:s8] =	ssyncset.done $0x0  }
0x32: {  	[sflag:s8] =	ssyncadd.s32 $0xFFFFFF80  }
0x33: {  	_ =	swait.ge [sflag:s8], $0x80  }
0x34: {  	[sflag:s8] =	ssyncset.done $0x0  }
0x35: {  	[sflag:s8] =	ssyncadd.s32 $0xFFFFFF80  }
0x36: {  	_ =	swait.ge [sflag:s8], $0x80  }
0x37: {  	[sflag:s8] =	ssyncset.done $0x0  }
0x38: {  	[sflag:s8] =	ssyncadd.s32 $0xFFFFFF80  }
0x39: {  	_ =	swait.ge [sflag:s8], $0x80  }
0x3a: {  	[sflag:s8] =	ssyncset.done $0x0  }
0x3b: {  	[sflag:s8] =	ssyncadd.s32 $0xFFFFFF80  }
0x3c: {  	_ =	swait.ge [sflag:s8], $0x80  }
0x3d: {  	[sflag:s8] =	ssyncset.done $0x0  }
0x3e: {  	[sflag:s8] =	ssyncadd.s32 $0xFFFFFF80  }
0x3f: {  	_ =	swait.ge [sflag:s8], $0x80  }
0x40: {  	[sflag:s8] =	ssyncset.done $0x0  }
0x41: {  	[sflag:s8] =	ssyncadd.s32 $0xFFFFFF80  }
0x42: {  	_ =	swait.ge [sflag:s8], $0x80  }
0x43: {  	[sflag:s8] =	ssyncset.done $0x0  }
0x44: {  	[sflag:s8] =	ssyncadd.s32 $0xFFFFFF80  }
0x45: {  	_ =	swait.ge [sflag:s8], $0x80  }
0x46: {  	[sflag:s8] =	ssyncset.done $0x0  }
0x47: {  	[sflag:s8] =	ssyncadd.s32 $0xFFFFFF80  }
0x48: {  	_ =	swait.ge [sflag:s8], $0x80  }
0x49: {  	[sflag:s8] =	ssyncset.done $0x0  }
0x4a: {  	[sflag:s8] =	ssyncadd.s32 $0xFFFFFF80  }
0x4b: {  	_ =	swait.ge [sflag:s8], $0x80  }
0x4c: {  	[sflag:s8] =	ssyncset.done $0x0  }
0x4d: {  	[sflag:s8] =	ssyncadd.s32 $0xFFFFFF80  }
0x4e: {  	_ =	swait.ge [sflag:s8], $0x80  }
0x4f: {  	[sflag:s8] =	ssyncset.done $0x0  }
0x50: {  	[sflag:s8] =	ssyncadd.s32 $0xFFFFFF80  }
0x51: {  	_ =	swait.ge [sflag:s8], $0x80  }
0x52: {  	[sflag:s8] =	ssyncset.done $0x0  }
0x53: {  	[sflag:s8] =	ssyncadd.s32 $0xFFFFFF80  }
0x54: {  	v0 =	vld [tilespmem:$0x800]  }
0x55: {  	v1 =	vld [tilespmem:$0xA00]  }
0x56: {  	v2 =	vld [tilespmem:$0xC00]  }
0x57: {  	v3 =	vld [tilespmem:$0x600]  }
0x58: {  	v4 =	vld [tilespmem:$0x810]  }
0x59: {  	v5 =	vld [tilespmem:$0xA10]  }
0x5a: {  	v6 =	vld [tilespmem:$0xC10]  }
0x5b: {  	v7 =	vld [tilespmem:$0x610]  }
0x5c: {  	v8 =	vld [tilespmem:$0x820]  }
0x5d: {  	v9 =	vld [tilespmem:$0xA20]  }
0x5e: {  	v10 =	vld [tilespmem:$0xC20]  }
0x5f: {  	v11 =	vld [tilespmem:$0x620]  }
0x60: {  	v12 =	vld [tilespmem:$0x830]  }
0x61: {  	v13 =	vld [tilespmem:$0xA30]  }
0x62: {  	v14 =	vld [tilespmem:$0xC30]  }
0x63: {  	v15 =	vld [tilespmem:$0x630]  }
0x64: {  	v16 =	vld [tilespmem:$0x840]  }
0x65: {  	v17 =	vld [tilespmem:$0xA40]  }
0x66: {  	v18 =	vld [tilespmem:$0xC40]  }
0x67: {  	v19 =	vld [tilespmem:$0x640]  }
0x68: {  	v20 =	vld [tilespmem:$0x850]  }
0x69: {  	v21 =	vld [tilespmem:$0xA50]  }
0x6a: {  	v22 =	vld [tilespmem:$0xC50]  }
0x6b: {  	v23 =	vld [tilespmem:$0x650]  }
0x6c: {  	v24 =	vld [tilespmem:$0x860]  }
0x6d: {  	v25 =	vld [tilespmem:$0xA60]  }
0x6e: {  	v26 =	vld [tilespmem:$0xC60]  }
0x6f: {  	v27 =	vld [tilespmem:$0x660]  }
0x70: {  	v28 =	vld [tilespmem:$0x870]  }
0x71: {  	v29 =	vld [tilespmem:$0xA70]  }
0x72: {  	v30 =	vld [tilespmem:$0xC70]  }
0x73: {  	v31 =	vld [tilespmem:$0x670]  }
0x74: {  	v32 =	vld [tilespmem:$0x880]  }
0x75: {  	v33 =	vld [tilespmem:$0xA80]  }
0x76: {  	v34 =	vld [tilespmem:$0xC80]  }
0x77: {  	v35 =	vld [tilespmem:$0x680]  }
0x78: {  	v36 =	vld [tilespmem:$0x890]  }
0x79: {  	v37 =	vld [tilespmem:$0xA90]  }
0x7a: {  	v38 =	vld [tilespmem:$0xC90]  }
0x7b: {  	v39 =	vld [tilespmem:$0x690]  }
0x7c: {  	v40 =	vld [tilespmem:$0x8A0]  }
0x7d: {  	v41 =	vld [tilespmem:$0xAA0]  }
0x7e: {  	v42 =	vld [tilespmem:$0xCA0]  }
0x7f: {  	v43 =	vld [tilespmem:$0x6A0]  }
0x80: {  	v44 =	vld [tilespmem:$0x8B0]  }
0x81: {  	v45 =	vld [tilespmem:$0xAB0]  }
0x82: {  	v46 =	vld [tilespmem:$0xCB0]  }
0x83: {  	v47 =	vld [tilespmem:$0x6B0]  }
0x84: {  	v48 =	vld [tilespmem:$0x8C0]  }
0x85: {  	v49 =	vld [tilespmem:$0xAC0]  }
0x86: {  	v50 =	vld [tilespmem:$0xCC0]  }
0x87: {  	v51 =	vld [tilespmem:$0x6C0]  }
0x88: {  	v52 =	vld [tilespmem:$0x8D0]  }
0x89: {  	v53 =	vld [tilespmem:$0xAD0]  }
0x8a: {  	v54 =	vld [tilespmem:$0xB20]  }
0x8b: {  	v0 =	vadd.f32 v1, v0;
	v1 =	vld [tilespmem:$0xCD0]  }
0x8c: {  	v4 =	vadd.f32 v5, v4;
	v5 =	vld [tilespmem:$0x6D0]  }
0x8d: {  	v60 =	vadd.f32 v9, v8;
	v8 =	vld [tilespmem:$0x8E0]  }
0x8e: {  	v9 =	vld [tilespmem:$0x6E0]  }
0x8f: {  	v61 =	vadd.f32 v13, v12;
	v13 =	vld [tilespmem:$0xCF0]  }
0x90: {  	v62 =	vadd.f32 v17, v16;
	v16 =	vld [tilespmem:$0xD00]  }
0x91: {  	v21 =	vadd.f32 v21, v20;
	v20 =	vld [tilespmem:$0xB10]  }
0x92: {  	v29 =	vadd.f32 v29, v28;
	v28 =	vld [tilespmem:$0xB30]  }
0x93: {  	v55 =	vadd.f32 v37, v36;
	v36 =	vld [tilespmem:$0x950]  }
0x94: {  	v37 =	vld [tilespmem:$0xB50]  }
0x95: {  	v56 =	vadd.f32 v41, v40;
	v41 =	vld [tilespmem:$0x960]  }
0x96: {  	v59 =	vadd.f32 v45, v44;
	v44 =	vld [tilespmem:$0xD60]  }
0x97: {  	v45 =	vld [tilespmem:$0x760]  }
0x98: {  	v4 =	vadd.f32 v6, v4;
	v6 =	vld [tilespmem:$0xAE0]  }
0x99: {  	v0 =	vadd.f32 v2, v0;
	v2 =	vadd.f32 v10, v60;
	v10 =	vld [tilespmem:$0x8F0]  }
0x9a: {  	v12 =	vadd.f32 v18, v62;
	v18 =	vld [tilespmem:$0x700]  }
0x9b: {  	v60 =	vadd.f32 v49, v48;
	v49 =	vld [tilespmem:$0xB70];
	v0 =	vsub.f32 v0, v3  }
0x9c: {  	v3 =	vld [tilespmem:$0xCE0];
	v4 =	vsub.f32 v4, v7;
	v2 =	vsub.f32 v2, v11  }
0x9d: {  	v7 =	vadd.f32 v14, v61;
	v11 =	vld [tilespmem:$0xAF0];
	v12 =	vsub.f32 v12, v19  }
0x9e: {  	v14 =	vadd.f32 v22, v21;
	v19 =	vadd.f32 v30, v29;
	v21 =	vld [tilespmem:$0x710]  }
0x9f: {  	v29 =	vadd.f32 v46, v59;
	v46 =	vld [tilespmem:$0x970];
	v0 =	vmul.f32 v0, v0;
	v4 =	vmul.f32 v4, v4  }
0xa0: {  	v59 =	vld [tilespmem:$0x780]  }
0xa1: {  	v2 =	vmul.f32 v2, v2;
	v63 =	vsub.f32 v7, v15;
	v7 =	vld [tilespmem:$0x6F0];
	v0 =	vadd.f32 v4, v0  }
0xa2: {  	v22 =	vadd.f32 v25, v24;
	v15 =	vld [tilespmem:$0x900]  }
0xa3: {  	v25 =	vsub.f32 v14, v23;
	v14 =	vld [tilespmem:$0x910];
	v4 =	vmul.f32 v63, v63;
	v0 =	vadd.f32 v2, v0  }
0xa4: {  	v30 =	vadd.f32 v33, v32;
	v23 =	vld [tilespmem:$0x920]  }
0xa5: {  	v24 =	vmul.f32 v12, v12;
	v17 =	vadd.f32 v26, v22;
	v26 =	vld [tilespmem:$0x930];
	v0 =	vadd.f32 v4, v0  }
0xa6: {  	v33 =	vsub.f32 v19, v31;
	v22 =	vadd.f32 v34, v30;
	v30 =	vld [tilespmem:$0x730]  }
0xa7: {  	v31 =	vld [tilespmem:$0xB40];
	v17 =	vsub.f32 v17, v27;
	v12 =	vmul.f32 v25, v25;
	v0 =	vadd.f32 v24, v0  }
0xa8: {  	v62 =	vsub.f32 v29, v47;
	v29 =	vld [tilespmem:$0x740]  }
0xa9: {  	v34 =	vld [tilespmem:$0x9B0];
	v32 =	vmul.f32 v17, v17;
	v0 =	vadd.f32 v12, v0  }
0xaa: {  	v25 =	vld [tilespmem:$0xD20];
	v22 =	vsub.f32 v22, v35;
	v63 =	vadd.f32 v53, v52  }
0xab: {  	v52 =	vld [tilespmem:$0x770];
	v17 =	vmul.f32 v33, v33;
	v24 =	vadd.f32 v38, v55;
	v0 =	vadd.f32 v32, v0  }
0xac: {  	v27 =	vadd.f32 v42, v56;
	v53 =	vld [tilespmem:$0x980]  }
0xad: {  	v35 =	vld [tilespmem:$0xBB0];
	v57 =	vmul.f32 v22, v22;
	v58 =	vsub.f32 v24, v39;
	v0 =	vadd.f32 v17, v0  }
0xae: {  	v6 =	vadd.f32 v6, v8;
	v2 =	vld [tilespmem:$0xB00]  }
0xaf: {  	v27 =	vsub.f32 v27, v43;
	v33 =	vld [tilespmem:$0xD40];
	v22 =	vmul.f32 v58, v58;
	v0 =	vadd.f32 v57, v0  }
0xb0: {  	v42 =	vadd.f32 v11, v10;
	v1 =	vadd.f32 v1, v63;
	v43 =	vld [tilespmem:$0xB60]  }
0xb1: {  	v63 =	vld [tilespmem:$0xD90];
	v61 =	vmul.f32 v27, v27;
	v32 =	vadd.f32 v50, v60;
	v0 =	vadd.f32 v22, v0  }
0xb2: {  	v3 =	vadd.f32 v3, v6;
	v6 =	vadd.f32 v13, v42;
	v42 =	vld [tilespmem:$0x9D0]  }
0xb3: {  	v4 =	vld [tilespmem:$0xD10];
	v27 =	vmul.f32 v62, v62;
	v32 =	vsub.f32 v32, v51;
	v0 =	vadd.f32 v61, v0  }
0xb4: {  	v1 =	vsub.f32 v1, v5;
	v62 =	vld [tilespmem:$0xB90];
	v48 =	vsub.f32 v6, v7  }
0xb5: {  	v6 =	vadd.f32 v49, v46;
	v46 =	vld [tilespmem:$0x7D0];
	v40 =	vmul.f32 v32, v32;
	v0 =	vadd.f32 v27, v0  }
0xb6: {  	v49 =	vld [tilespmem:$0xBE0];
	v2 =	vadd.f32 v2, v15  }
0xb7: {  	v3 =	vsub.f32 v3, v9;
	v38 =	vld [tilespmem:$0xD50];
	v1 =	vmul.f32 v1, v1;
	v0 =	vadd.f32 v40, v0  }
0xb8: {  	v54 =	vadd.f32 v54, v23;
	v24 =	vld [tilespmem:$0xD30];
	v2 =	vadd.f32 v16, v2  }
0xb9: {  	v47 =	vmul.f32 v3, v3;
	v50 =	vadd.f32 v20, v14;
	v17 =	vld [tilespmem:$0x940];
	v0 =	vadd.f32 v1, v0  }
0xba: {  	v15 =	vadd.f32 v25, v54;
	v12 =	vld [tilespmem:$0x720];
	v2 =	vsub.f32 v2, v18  }
0xbb: {  	v55 =	vld [tilespmem:$0xB80];
	v3 =	vmul.f32 v48, v48;
	v4 =	vadd.f32 v4, v50;
	v0 =	vadd.f32 v47, v0  }
0xbc: {  	v5 =	vadd.f32 v43, v41;
	v41 =	vld [tilespmem:$0x7C0];
	v58 =	vadd.f32 v28, v26  }
0xbd: {  	v43 =	vld [tilespmem:$0xBD0];
	v2 =	vmul.f32 v2, v2;
	v56 =	vsub.f32 v4, v21;
	v0 =	vadd.f32 v3, v0  }
0xbe: {  	v39 =	vld [tilespmem:$0x750];
	v17 =	vadd.f32 v31, v17;
	v61 =	vadd.f32 v24, v58  }
0xbf: {  	v60 =	vld [tilespmem:$0x990];
	v12 =	vsub.f32 v15, v12;
	v3 =	vmul.f32 v56, v56;
	v0 =	vadd.f32 v2, v0  }
0xc0: {  	v26 =	vld [tilespmem:$0x790];
	v17 =	vadd.f32 v33, v17;
	v25 =	vsub.f32 v61, v30  }
0xc1: {  	v28 =	vld [tilespmem:$0x9A0];
	v24 =	vmul.f32 v12, v12;
	v27 =	vadd.f32 v37, v36;
	v0 =	vadd.f32 v3, v0  }
0xc2: {  	v5 =	vadd.f32 v44, v5;
	v51 =	vld [tilespmem:$0xD70];
	v17 =	vsub.f32 v17, v29  }
0xc3: {  	v57 =	vld [tilespmem:$0xD80];
	v12 =	vmul.f32 v25, v25;
	v21 =	vadd.f32 v38, v27;
	v0 =	vadd.f32 v24, v0  }
0xc4: {  	v5 =	vsub.f32 v5, v45;
	v45 =	vld [tilespmem:$0xDD0]  }
0xc5: {  	v31 =	vld [tilespmem:$0xDA0];
	v33 =	vmul.f32 v17, v17;
	v8 =	vsub.f32 v21, v39;
	v0 =	vadd.f32 v12, v0  }
0xc6: {  	v7 =	vadd.f32 v55, v53;
	v30 =	vld [tilespmem:$0xBA0]  }
0xc7: {  	v6 =	vadd.f32 v51, v6;
	v36 =	vld [tilespmem:$0xDB0];
	v8 =	vmul.f32 v8, v8;
	v0 =	vadd.f32 v33, v0  }
0xc8: {  	v4 =	vadd.f32 v57, v7;
	v38 =	vld [tilespmem:$0x9C0];
	v2 =	vadd.f32 v62, v60  }
0xc9: {  	v5 =	vmul.f32 v5, v5;
	v1 =	vsub.f32 v6, v52;
	v39 =	vld [tilespmem:$0xBC0];
	v0 =	vadd.f32 v8, v0  }
0xca: {  	v32 =	vld [tilespmem:$0x7A0];
	v4 =	vsub.f32 v4, v59;
	v2 =	vadd.f32 v63, v2  }
0xcb: {  	v40 =	vld [tilespmem:$0xDC0];
	v1 =	vmul.f32 v1, v1;
	v3 =	vadd.f32 v30, v28;
	v0 =	vadd.f32 v5, v0  }
0xcc: {  	v11 =	vadd.f32 v35, v34;
	v37 =	vld [tilespmem:$0x7B0];
	v2 =	vsub.f32 v2, v26  }
0xcd: {  	v53 =	vld [tilespmem:$0x9F0];
	v44 =	vmul.f32 v4, v4;
	v3 =	vadd.f32 v31, v3;
	v0 =	vadd.f32 v1, v0  }
0xce: {  	v48 =	vadd.f32 v36, v11;
	v47 =	vld [tilespmem:$0x9E0];
	v6 =	vadd.f32 v39, v38  }
0xcf: {  	v55 =	vld [tilespmem:$0xBF0];
	v3 =	vsub.f32 v3, v32;
	v2 =	vmul.f32 v2, v2;
	v0 =	vadd.f32 v44, v0  }
0xd0: {  	v50 =	vld [tilespmem:$0xDE0];
	v54 =	vadd.f32 v43, v42;
	v6 =	vadd.f32 v40, v6  }
0xd1: {  	v57 =	vld [tilespmem:$0xDF0];
	v52 =	vsub.f32 v48, v37;
	v51 =	vmul.f32 v3, v3;
	v0 =	vadd.f32 v2, v0  }
0xd2: {  	v4 =	vadd.f32 v45, v54;
	v56 =	vld [tilespmem:$0x7E0];
	v5 =	vsub.f32 v6, v41  }
0xd3: {  	v3 =	vmul.f32 v52, v52;
	v1 =	vadd.f32 v49, v47;
	v0 =	vadd.f32 v51, v0  }
0xd4: {  	v59 =	vld [tilespmem:$0x7F0];
	v4 =	vsub.f32 v4, v46;
	v60 =	vadd.f32 v55, v53  }
0xd5: {  	v58 =	vmul.f32 v5, v5;
	v1 =	vadd.f32 v50, v1;
	v0 =	vadd.f32 v3, v0  }
0xd6: {  	v61 =	vadd.f32 v57, v60  }
0xd7: {  	v62 =	vmul.f32 v4, v4;
	v1 =	vsub.f32 v1, v56;
	v0 =	vadd.f32 v58, v0;
	_ =	sdelay $0x1  }
0xd8: {  	v2 =	vsub.f32 v61, v59;
	v1 =	vmul.f32 v1, v1;
	v0 =	vadd.f32 v62, v0;
	_ =	sdelay $0x1  }
0xd9: {  	v63 =	vmul.f32 v2, v2;
	v0 =	vadd.f32 v1, v0;
	_ =	sdelay $0x1  }
0xda: {  	v0 =	vadd.f32 v63, v0  }
0xdb: {  	p0 =	sne.s32 s6, $0x1  }
.Ltmp0:
0xdc: {  	s10 =	rddreg [dreg:$0x3];
	[tilespmem:$0xE00] =	vst v0;
	(pc) =	sbr.rel @p0 .LBB2_1-.Ltmp0, $4  }
0xdd: {  	[hbm4b:s10+s1] =	stream.linear.scatter [tilespmem:s31], [sflag:$0x2], $0x80, $0x38;
	[tilespmem:$0xE80] =	vst v63  }
0xde: {  	_ =	swait.ge [sflag:s0], $0x80  }
0xdf: {  	[sflag:s0] =	ssyncset.done $0x0  }
0xe0: {  	s6 =	sadd.s32 $0xFFFFFFFF, s6;
	[sflag:s0] =	ssyncadd.s32 $0xFFFFFF80  }
0xe1: {  	_ =	sfence.sel $0x180000  }
0xe2: {  	[bflag:$0x0] =	sbarrier.arrive $0xFFFF  }
0xe3: {  	_ =	strace $0x90000047  }
0xe4: {  	s0 =	stileid.u32;
	[bflag:$0x2] =	sbarrier.arrive $0xFFFF  }
0xe5: {  	p0 =	sne.s32 s0, $0x0;
	s0 =	rddreg [dreg:$0x1]  }
0xe6: {  	s0 =	sadd.s32 @!p0 $0x100000, s0  }
0xe7: {  	[sflag:s0] =	ssyncadd.tile.s32 @!p0 $0x1;
	_ =	shalt  }
.Lfunc_end2:
_tile_overlayer_lowered:
.L_overlay_start_2:
0xe8: {  	(tag) =	ssettag $0x2  }
0xe9: {  	s0 =	rddreg [dreg:$0x0];
	s2 =	stileid.u32  }
0xea: {  	s1 =	rddreg [dreg:$0x1];
	p0 =	sne.s32 s2, $0x0  }
0xeb: {  	s3 =	rddreg [dreg:$0x2];
	[bflag:$0x3] =	sbarrier.arrive $0xFFFF;
	s2 =	simm.s32 @!p0 $0x1C02  }
0xec: {  	[timem:s3], [sflag:s2] =	dma.local @!p0 [hbm:s0], s1  }
0xed: {  	s0 =	simm.s32 @!p0 $0x2  }
0xee: {  	_ =	swait.ge @!p0 [sflag:s0], s1  }
0xef: {  	s1 =	ssub.s32 @!p0 $0x0, s1;
	[sflag:s0] =	ssyncset.done @!p0 $0x0  }
0xf0: {  	[sflag:s0] =	ssyncadd.s32 @!p0 s1  }
0xf1: {  	[bflag:$0x3] =	sbarrier.arrive $0xFFFF  }
0xf2: {  	_ =	shalt  }

</sc_bundles>
